<compile_context>
chip_gen: v7x
topology: tpu7x:2x2x1
jax: 0.10.2.dev20260603
libtpu: 0.0.44.dev20260713+nightly
codegen_flags: <defaults>
</compile_context>

<pallas_src>
import functools

import jax
import jax.numpy as jnp
from jax import lax
from jax.experimental import pallas as pl
from jax.experimental.pallas import tpu as pltpu
from jax.experimental.pallas import tpu_sc as plsc

D_MODEL = 128
_IDXW = 128
_CHUNK = _IDXW
_NBUF = 2
_TABLE_ROWS = 8192
_STAGE = 128


@functools.cache
def _build(B):
    info = plsc.get_sparse_core_info()
    NC, NS = info.num_cores, info.num_subcores
    NW = NC * NS
    per_w = B // NW
    assert B % NW == 0 and per_w % (_CHUNK * _NBUF) == 0
    idx_rows = per_w // _IDXW
    n_chunks = per_w // _CHUNK
    rows_per_tile = _TABLE_ROWS // NS
    assert rows_per_tile % _STAGE == 0

    mesh = plsc.VectorSubcoreMesh(core_axis_name="c", subcore_axis_name="s")

    @functools.partial(
        pl.kernel,
        mesh=mesh,
        out_type=jax.ShapeDtypeStruct((B, D_MODEL), jnp.float32),
        scratch_types=[
            pltpu.VMEM((idx_rows, _IDXW), jnp.int32),
            pltpu.VMEM((_NBUF, _CHUNK, D_MODEL), jnp.float32),
            pltpu.MemorySpace.VMEM_SHARED((_TABLE_ROWS, D_MODEL), jnp.float32),
            pltpu.SemaphoreType.DMA,
            pltpu.SemaphoreType.DMA,
            pltpu.SemaphoreType.DMA,
            pltpu.SemaphoreType.DMA,
        ],
    )
    def gather_kernel(idx_hbm, table_hbm, out_hbm, idx_v, rows_v, table_sh,
                      g0, g1, w0, w1):
        sid = lax.axis_index("s")
        wid = sid * NC + lax.axis_index("c")
        out0 = wid * per_w
        gsem = (g0, g1)
        wsem = (w0, w1)

        for r in range(rows_per_tile // _STAGE):
            t0 = sid * rows_per_tile + r * _STAGE
            pltpu.sync_copy(table_hbm.at[pl.ds(t0, _STAGE)], rows_v.at[0])
            pltpu.sync_copy(rows_v.at[0], table_sh.at[pl.ds(t0, _STAGE)])
        pltpu.sync_copy(idx_hbm.at[pl.ds(wid * idx_rows, idx_rows)], idx_v)
        plsc.subcore_barrier()

        def chunk_step(g, b, wait_write):
            if wait_write:
                pltpu.make_async_copy(
                    rows_v.at[b],
                    out_hbm.at[pl.ds(out0, _CHUNK)],
                    wsem[b],
                ).wait()
            pltpu.async_copy(
                table_sh.at[idx_v.at[g]],
                rows_v.at[b],
                gsem[b],
            ).wait()
            pltpu.async_copy(
                rows_v.at[b],
                out_hbm.at[pl.ds(out0 + g * _CHUNK, _CHUNK)],
                wsem[b],
            )

        for b in range(_NBUF):
            chunk_step(b, b, wait_write=False)

        def body(o, carry):
            for b in range(_NBUF):
                chunk_step(o * _NBUF + b, b, wait_write=True)
            return carry

        lax.fori_loop(1, n_chunks // _NBUF, body, 0)

        for b in range(_NBUF):
            pltpu.make_async_copy(
                rows_v.at[b],
                out_hbm.at[pl.ds(out0, _CHUNK)],
                wsem[b],
            ).wait()

    return gather_kernel


def kernel(indices, pos_enc):
    b0, b1 = indices.shape
    B = b0 * b1
    idx2d = indices.astype(jnp.int32).reshape(B // _IDXW, _IDXW)
    out = _build(B)(idx2d, pos_enc)
    return out.reshape(b0, b1, D_MODEL)

# --- scband reference (transcript-rebuilt; emitter-appended) ---
"""Pipeline reference for scband-sinc-cos-positional-encoding-50903952392315 (READ-ONLY COPY).

The authoritative reference and input builder live on the scoring server;
editing this copy changes nothing except your own understanding.
"""

import jax, jax.numpy as jnp
import numpy as np

D_MODEL = 128
MAX_SEQ_LEN = 8192


def _positional_encs(d_model, max_seq_len):
    # encs = 10000 ** (dim / d_model) for dim in range(0, d_model, 2)
    inv = 10000.0 ** (jnp.arange(0, d_model, 2, dtype=jnp.float32) / d_model)
    pos = jnp.arange(max_seq_len, dtype=jnp.float32)[:, None] / inv[None, :]
    s = jnp.sin(pos)
    c = jnp.cos(pos)
    # stack((sin, cos), dim=1).flatten()[:d_model] per position -> interleave
    enc = jnp.stack([s, c], axis=2).reshape(max_seq_len, -1)[:, :d_model]
    return enc


def setup_inputs(seed: int = 0) -> dict:
    key = jax.random.key(seed)
    k1, _ = jax.random.split(key)
    indices = jax.random.randint(k1, (4096, 200), 0, MAX_SEQ_LEN, dtype=jnp.int64 if jax.config.jax_enable_x64 else jnp.int32)
    pos_enc = _positional_encs(D_MODEL, MAX_SEQ_LEN)
    return {"indices": indices, "pos_enc": pos_enc}


def reference(indices, pos_enc):
    # forward: self.pos_enc[indices]
    return jnp.take(pos_enc, indices, axis=0)

if __name__ == "__main__":
    import jax
    _d = setup_inputs()
    print(jax.jit(kernel)(*tuple(_d.values())))

</pallas_src>

<mosaic_0001>
#map = affine_map<(d0, d1) -> (0, 0)>
module attributes {stable_mosaic.version = 14 : i64} {
  func.func @gather_kernel(%arg0: i32, %arg1: i32, %arg2: memref<6400x128xi32, #tpu.memory_space<hbm>>, %arg3: memref<8192x128xf32, #tpu.memory_space<hbm>>, %arg4: memref<819200x128xf32, #tpu.memory_space<hbm>>, %arg5: memref<200x128xi32, #tpu.memory_space<vmem>>, %arg6: memref<2x128x128xf32, #tpu.memory_space<vmem>>, %arg7: memref<8192x128xf32, #tpu.memory_space<vmem_shared>>, %arg8: memref<!tpu.dma_semaphore, #tpu.memory_space<semaphore_mem>>, %arg9: memref<!tpu.dma_semaphore, #tpu.memory_space<semaphore_mem>>, %arg10: memref<!tpu.dma_semaphore, #tpu.memory_space<semaphore_mem>>, %arg11: memref<!tpu.dma_semaphore, #tpu.memory_space<semaphore_mem>>) attributes {dimension_semantics = [#tpu.dimension_semantics<core_parallel>, #tpu.dimension_semantics<subcore_parallel>], iteration_bounds = array<i64: 2, 16>, scalar_prefetch = 0 : i64, scratch_operands = 7 : i64, tpu.core_type = #tpu.core_type<sc_vector_subcore>, window_params = [{transform_indices = #map}, {transform_indices = #map}, {transform_indices = #map}]} {
    %mul3A = arith.constant 2 : i32
    %mul3A_0 = arith.muli %arg1, %mul3A : i32
    %add3A = arith.addi %mul3A_0, %arg0 : i32
    %mul3A_1 = arith.constant 25600 : i32
    %mul3A_2 = arith.muli %add3A, %mul3A_1 : i32
    %mul3A_3 = arith.constant 512 : i32
    %mul3A_4 = arith.muli %arg1, %mul3A_3 : i32
    %add3A_5 = arith.constant 0 : i32
    %add3A_6 = arith.addi %mul3A_4, %add3A_5 : i32
    %run_scoped3A = arith.constant 0 : i32
    "tpu.region"() ({
      %run_scoped3A_135 = tpu.sem_alloc : memref<!tpu.dma_semaphore, #tpu.memory_space<semaphore_mem>>
      %dma_start3A_136 = arith.constant 0 : i32
      %dma_start3A_137 = arith.constant 0 : i32
      %dma_start3A_138 = tpu.memref_slice %arg6[%run_scoped3A, %dma_start3A_136, %dma_start3A_137] : memref<2x128x128xf32, #tpu.memory_space<vmem>> -> memref<1x128x128xf32, #tpu.memory_space<vmem>>
      %dma_start3A_139 = tpu.memref_squeeze %dma_start3A_138 : memref<1x128x128xf32, #tpu.memory_space<vmem>> -> memref<128x128xf32, #tpu.memory_space<vmem>>
      %dma_start3A_140 = arith.constant 0 : i32
      %dma_start3A_141 = tpu.memref_slice %arg3[%add3A_6, %dma_start3A_140] : memref<8192x128xf32, #tpu.memory_space<hbm>> -> memref<128x128xf32, #tpu.memory_space<hbm>>
      %dma_start3A_142 = arith.constant 0 : i32
      %dma_start3A_143 = arith.constant 0 : i32
      %dma_start3A_144 = tpu.memref_slice %arg6[%run_scoped3A, %dma_start3A_142, %dma_start3A_143] : memref<2x128x128xf32, #tpu.memory_space<vmem>> -> memref<1x128x128xf32, #tpu.memory_space<vmem>>
      %dma_start3A_145 = tpu.memref_squeeze %dma_start3A_144 : memref<1x128x128xf32, #tpu.memory_space<vmem>> -> memref<128x128xf32, #tpu.memory_space<vmem>>
      %dma_start3A_146 = arith.constant 0 : i32
      %dma_start3A_147 = tpu.memref_slice %arg3[%add3A_6, %dma_start3A_146] : memref<8192x128xf32, #tpu.memory_space<hbm>> -> memref<128x128xf32, #tpu.memory_space<hbm>>
      tpu.enqueue_dma source(%dma_start3A_147 : memref<128x128xf32, #tpu.memory_space<hbm>>) target(%dma_start3A_145 : memref<128x128xf32, #tpu.memory_space<vmem>>) target_semaphore(%run_scoped3A_135 : memref<!tpu.dma_semaphore, #tpu.memory_space<semaphore_mem>>)
      %dma_wait3A_148 = arith.constant 0 : i32
      %dma_wait3A_149 = arith.constant 0 : i32
      %dma_wait3A_150 = tpu.memref_slice %arg6[%run_scoped3A, %dma_wait3A_148, %dma_wait3A_149] : memref<2x128x128xf32, #tpu.memory_space<vmem>> -> memref<1x128x128xf32, #tpu.memory_space<vmem>>
      %dma_wait3A_151 = tpu.memref_squeeze %dma_wait3A_150 : memref<1x128x128xf32, #tpu.memory_space<vmem>> -> memref<128x128xf32, #tpu.memory_space<vmem>>
      %dma_wait3A_152 = arith.constant 0 : i32
      %dma_wait3A_153 = tpu.memref_slice %arg3[%add3A_6, %dma_wait3A_152] : memref<8192x128xf32, #tpu.memory_space<hbm>> -> memref<128x128xf32, #tpu.memory_space<hbm>>
      %dma_wait3A_154 = arith.constant 0 : i32
      %dma_wait3A_155 = arith.constant 0 : i32
      %dma_wait3A_156 = tpu.memref_slice %arg6[%run_scoped3A, %dma_wait3A_154, %dma_wait3A_155] : memref<2x128x128xf32, #tpu.memory_space<vmem>> -> memref<1x128x128xf32, #tpu.memory_space<vmem>>
      %dma_wait3A_157 = tpu.memref_squeeze %dma_wait3A_156 : memref<1x128x128xf32, #tpu.memory_space<vmem>> -> memref<128x128xf32, #tpu.memory_space<vmem>>
      %dma_wait3A_158 = arith.constant 0 : i32
      %dma_wait3A_159 = tpu.memref_slice %arg3[%add3A_6, %dma_wait3A_158] : memref<8192x128xf32, #tpu.memory_space<hbm>> -> memref<128x128xf32, #tpu.memory_space<hbm>>
      tpu.wait_dma2 semaphore(%run_scoped3A_135 : memref<!tpu.dma_semaphore, #tpu.memory_space<semaphore_mem>>) src(%dma_wait3A_159 : memref<128x128xf32, #tpu.memory_space<hbm>>) dst(%dma_wait3A_157 : memref<128x128xf32, #tpu.memory_space<vmem>>)
      tpu.yield
    }) : () -> ()
    %run_scoped3A_7 = arith.constant 0 : i32
    "tpu.region"() ({
      %run_scoped3A_135 = tpu.sem_alloc : memref<!tpu.dma_semaphore, #tpu.memory_space<semaphore_mem>>
      %dma_start3A_136 = arith.constant 0 : i32
      %dma_start3A_137 = arith.constant 0 : i32
      %dma_start3A_138 = tpu.memref_slice %arg6[%run_scoped3A_7, %dma_start3A_136, %dma_start3A_137] : memref<2x128x128xf32, #tpu.memory_space<vmem>> -> memref<1x128x128xf32, #tpu.memory_space<vmem>>
      %dma_start3A_139 = tpu.memref_squeeze %dma_start3A_138 : memref<1x128x128xf32, #tpu.memory_space<vmem>> -> memref<128x128xf32, #tpu.memory_space<vmem>>
      %dma_start3A_140 = arith.constant 0 : i32
      %dma_start3A_141 = tpu.memref_slice %arg7[%add3A_6, %dma_start3A_140] : memref<8192x128xf32, #tpu.memory_space<vmem_shared>> -> memref<128x128xf32, #tpu.memory_space<vmem_shared>>
      %dma_start3A_142 = arith.constant 0 : i32
      %dma_start3A_143 = tpu.memref_slice %arg7[%add3A_6, %dma_start3A_142] : memref<8192x128xf32, #tpu.memory_space<vmem_shared>> -> memref<128x128xf32, #tpu.memory_space<vmem_shared>>
      %dma_start3A_144 = arith.constant 0 : i32
      %dma_start3A_145 = arith.constant 0 : i32
      %dma_start3A_146 = tpu.memref_slice %arg6[%run_scoped3A_7, %dma_start3A_144, %dma_start3A_145] : memref<2x128x128xf32, #tpu.memory_space<vmem>> -> memref<1x128x128xf32, #tpu.memory_space<vmem>>
      %dma_start3A_147 = tpu.memref_squeeze %dma_start3A_146 : memref<1x128x128xf32, #tpu.memory_space<vmem>> -> memref<128x128xf32, #tpu.memory_space<vmem>>
      tpu.enqueue_dma source(%dma_start3A_147 : memref<128x128xf32, #tpu.memory_space<vmem>>) target(%dma_start3A_143 : memref<128x128xf32, #tpu.memory_space<vmem_shared>>) target_semaphore(%run_scoped3A_135 : memref<!tpu.dma_semaphore, #tpu.memory_space<semaphore_mem>>)
      %dma_wait3A_148 = arith.constant 0 : i32
      %dma_wait3A_149 = arith.constant 0 : i32
      %dma_wait3A_150 = tpu.memref_slice %arg6[%run_scoped3A_7, %dma_wait3A_148, %dma_wait3A_149] : memref<2x128x128xf32, #tpu.memory_space<vmem>> -> memref<1x128x128xf32, #tpu.memory_space<vmem>>
      %dma_wait3A_151 = tpu.memref_squeeze %dma_wait3A_150 : memref<1x128x128xf32, #tpu.memory_space<vmem>> -> memref<128x128xf32, #tpu.memory_space<vmem>>
      %dma_wait3A_152 = arith.constant 0 : i32
      %dma_wait3A_153 = tpu.memref_slice %arg7[%add3A_6, %dma_wait3A_152] : memref<8192x128xf32, #tpu.memory_space<vmem_shared>> -> memref<128x128xf32, #tpu.memory_space<vmem_shared>>
      %dma_wait3A_154 = arith.constant 0 : i32
      %dma_wait3A_155 = tpu.memref_slice %arg7[%add3A_6, %dma_wait3A_154] : memref<8192x128xf32, #tpu.memory_space<vmem_shared>> -> memref<128x128xf32, #tpu.memory_space<vmem_shared>>
      %dma_wait3A_156 = arith.constant 0 : i32
      %dma_wait3A_157 = arith.constant 0 : i32
      %dma_wait3A_158 = tpu.memref_slice %arg6[%run_scoped3A_7, %dma_wait3A_156, %dma_wait3A_157] : memref<2x128x128xf32, #tpu.memory_space<vmem>> -> memref<1x128x128xf32, #tpu.memory_space<vmem>>
      %dma_wait3A_159 = tpu.memref_squeeze %dma_wait3A_158 : memref<1x128x128xf32, #tpu.memory_space<vmem>> -> memref<128x128xf32, #tpu.memory_space<vmem>>
      tpu.wait_dma2 semaphore(%run_scoped3A_135 : memref<!tpu.dma_semaphore, #tpu.memory_space<semaphore_mem>>) src(%dma_wait3A_159 : memref<128x128xf32, #tpu.memory_space<vmem>>) dst(%dma_wait3A_155 : memref<128x128xf32, #tpu.memory_space<vmem_shared>>)
      tpu.yield
    }) : () -> ()
    %mul3A_8 = arith.constant 512 : i32
    %mul3A_9 = arith.muli %arg1, %mul3A_8 : i32
    %add3A_10 = arith.constant 128 : i32
    %add3A_11 = arith.addi %mul3A_9, %add3A_10 : i32
    %run_scoped3A_12 = arith.constant 0 : i32
    "tpu.region"() ({
      %run_scoped3A_135 = tpu.sem_alloc : memref<!tpu.dma_semaphore, #tpu.memory_space<semaphore_mem>>
      %dma_start3A_136 = arith.constant 0 : i32
      %dma_start3A_137 = arith.constant 0 : i32
      %dma_start3A_138 = tpu.memref_slice %arg6[%run_scoped3A_12, %dma_start3A_136, %dma_start3A_137] : memref<2x128x128xf32, #tpu.memory_space<vmem>> -> memref<1x128x128xf32, #tpu.memory_space<vmem>>
      %dma_start3A_139 = tpu.memref_squeeze %dma_start3A_138 : memref<1x128x128xf32, #tpu.memory_space<vmem>> -> memref<128x128xf32, #tpu.memory_space<vmem>>
      %dma_start3A_140 = arith.constant 0 : i32
      %dma_start3A_141 = tpu.memref_slice %arg3[%add3A_11, %dma_start3A_140] : memref<8192x128xf32, #tpu.memory_space<hbm>> -> memref<128x128xf32, #tpu.memory_space<hbm>>
      %dma_start3A_142 = arith.constant 0 : i32
      %dma_start3A_143 = arith.constant 0 : i32
      %dma_start3A_144 = tpu.memref_slice %arg6[%run_scoped3A_12, %dma_start3A_142, %dma_start3A_143] : memref<2x128x128xf32, #tpu.memory_space<vmem>> -> memref<1x128x128xf32, #tpu.memory_space<vmem>>
      %dma_start3A_145 = tpu.memref_squeeze %dma_start3A_144 : memref<1x128x128xf32, #tpu.memory_space<vmem>> -> memref<128x128xf32, #tpu.memory_space<vmem>>
      %dma_start3A_146 = arith.constant 0 : i32
      %dma_start3A_147 = tpu.memref_slice %arg3[%add3A_11, %dma_start3A_146] : memref<8192x128xf32, #tpu.memory_space<hbm>> -> memref<128x128xf32, #tpu.memory_space<hbm>>
      tpu.enqueue_dma source(%dma_start3A_147 : memref<128x128xf32, #tpu.memory_space<hbm>>) target(%dma_start3A_145 : memref<128x128xf32, #tpu.memory_space<vmem>>) target_semaphore(%run_scoped3A_135 : memref<!tpu.dma_semaphore, #tpu.memory_space<semaphore_mem>>)
      %dma_wait3A_148 = arith.constant 0 : i32
      %dma_wait3A_149 = arith.constant 0 : i32
      %dma_wait3A_150 = tpu.memref_slice %arg6[%run_scoped3A_12, %dma_wait3A_148, %dma_wait3A_149] : memref<2x128x128xf32, #tpu.memory_space<vmem>> -> memref<1x128x128xf32, #tpu.memory_space<vmem>>
      %dma_wait3A_151 = tpu.memref_squeeze %dma_wait3A_150 : memref<1x128x128xf32, #tpu.memory_space<vmem>> -> memref<128x128xf32, #tpu.memory_space<vmem>>
      %dma_wait3A_152 = arith.constant 0 : i32
      %dma_wait3A_153 = tpu.memref_slice %arg3[%add3A_11, %dma_wait3A_152] : memref<8192x128xf32, #tpu.memory_space<hbm>> -> memref<128x128xf32, #tpu.memory_space<hbm>>
      %dma_wait3A_154 = arith.constant 0 : i32
      %dma_wait3A_155 = arith.constant 0 : i32
      %dma_wait3A_156 = tpu.memref_slice %arg6[%run_scoped3A_12, %dma_wait3A_154, %dma_wait3A_155] : memref<2x128x128xf32, #tpu.memory_space<vmem>> -> memref<1x128x128xf32, #tpu.memory_space<vmem>>
      %dma_wait3A_157 = tpu.memref_squeeze %dma_wait3A_156 : memref<1x128x128xf32, #tpu.memory_space<vmem>> -> memref<128x128xf32, #tpu.memory_space<vmem>>
      %dma_wait3A_158 = arith.constant 0 : i32
      %dma_wait3A_159 = tpu.memref_slice %arg3[%add3A_11, %dma_wait3A_158] : memref<8192x128xf32, #tpu.memory_space<hbm>> -> memref<128x128xf32, #tpu.memory_space<hbm>>
      tpu.wait_dma2 semaphore(%run_scoped3A_135 : memref<!tpu.dma_semaphore, #tpu.memory_space<semaphore_mem>>) src(%dma_wait3A_159 : memref<128x128xf32, #tpu.memory_space<hbm>>) dst(%dma_wait3A_157 : memref<128x128xf32, #tpu.memory_space<vmem>>)
      tpu.yield
    }) : () -> ()
    %run_scoped3A_13 = arith.constant 0 : i32
    "tpu.region"() ({
      %run_scoped3A_135 = tpu.sem_alloc : memref<!tpu.dma_semaphore, #tpu.memory_space<semaphore_mem>>
      %dma_start3A_136 = arith.constant 0 : i32
      %dma_start3A_137 = arith.constant 0 : i32
      %dma_start3A_138 = tpu.memref_slice %arg6[%run_scoped3A_13, %dma_start3A_136, %dma_start3A_137] : memref<2x128x128xf32, #tpu.memory_space<vmem>> -> memref<1x128x128xf32, #tpu.memory_space<vmem>>
      %dma_start3A_139 = tpu.memref_squeeze %dma_start3A_138 : memref<1x128x128xf32, #tpu.memory_space<vmem>> -> memref<128x128xf32, #tpu.memory_space<vmem>>
      %dma_start3A_140 = arith.constant 0 : i32
      %dma_start3A_141 = tpu.memref_slice %arg7[%add3A_11, %dma_start3A_140] : memref<8192x128xf32, #tpu.memory_space<vmem_shared>> -> memref<128x128xf32, #tpu.memory_space<vmem_shared>>
      %dma_start3A_142 = arith.constant 0 : i32
      %dma_start3A_143 = tpu.memref_slice %arg7[%add3A_11, %dma_start3A_142] : memref<8192x128xf32, #tpu.memory_space<vmem_shared>> -> memref<128x128xf32, #tpu.memory_space<vmem_shared>>
      %dma_start3A_144 = arith.constant 0 : i32
      %dma_start3A_145 = arith.constant 0 : i32
      %dma_start3A_146 = tpu.memref_slice %arg6[%run_scoped3A_13, %dma_start3A_144, %dma_start3A_145] : memref<2x128x128xf32, #tpu.memory_space<vmem>> -> memref<1x128x128xf32, #tpu.memory_space<vmem>>
      %dma_start3A_147 = tpu.memref_squeeze %dma_start3A_146 : memref<1x128x128xf32, #tpu.memory_space<vmem>> -> memref<128x128xf32, #tpu.memory_space<vmem>>
      tpu.enqueue_dma source(%dma_start3A_147 : memref<128x128xf32, #tpu.memory_space<vmem>>) target(%dma_start3A_143 : memref<128x128xf32, #tpu.memory_space<vmem_shared>>) target_semaphore(%run_scoped3A_135 : memref<!tpu.dma_semaphore, #tpu.memory_space<semaphore_mem>>)
      %dma_wait3A_148 = arith.constant 0 : i32
      %dma_wait3A_149 = arith.constant 0 : i32
      %dma_wait3A_150 = tpu.memref_slice %arg6[%run_scoped3A_13, %dma_wait3A_148, %dma_wait3A_149] : memref<2x128x128xf32, #tpu.memory_space<vmem>> -> memref<1x128x128xf32, #tpu.memory_space<vmem>>
      %dma_wait3A_151 = tpu.memref_squeeze %dma_wait3A_150 : memref<1x128x128xf32, #tpu.memory_space<vmem>> -> memref<128x128xf32, #tpu.memory_space<vmem>>
      %dma_wait3A_152 = arith.constant 0 : i32
      %dma_wait3A_153 = tpu.memref_slice %arg7[%add3A_11, %dma_wait3A_152] : memref<8192x128xf32, #tpu.memory_space<vmem_shared>> -> memref<128x128xf32, #tpu.memory_space<vmem_shared>>
      %dma_wait3A_154 = arith.constant 0 : i32
      %dma_wait3A_155 = tpu.memref_slice %arg7[%add3A_11, %dma_wait3A_154] : memref<8192x128xf32, #tpu.memory_space<vmem_shared>> -> memref<128x128xf32, #tpu.memory_space<vmem_shared>>
      %dma_wait3A_156 = arith.constant 0 : i32
      %dma_wait3A_157 = arith.constant 0 : i32
      %dma_wait3A_158 = tpu.memref_slice %arg6[%run_scoped3A_13, %dma_wait3A_156, %dma_wait3A_157] : memref<2x128x128xf32, #tpu.memory_space<vmem>> -> memref<1x128x128xf32, #tpu.memory_space<vmem>>
      %dma_wait3A_159 = tpu.memref_squeeze %dma_wait3A_158 : memref<1x128x128xf32, #tpu.memory_space<vmem>> -> memref<128x128xf32, #tpu.memory_space<vmem>>
      tpu.wait_dma2 semaphore(%run_scoped3A_135 : memref<!tpu.dma_semaphore, #tpu.memory_space<semaphore_mem>>) src(%dma_wait3A_159 : memref<128x128xf32, #tpu.memory_space<vmem>>) dst(%dma_wait3A_155 : memref<128x128xf32, #tpu.memory_space<vmem_shared>>)
      tpu.yield
    }) : () -> ()
    %mul3A_14 = arith.constant 512 : i32
    %mul3A_15 = arith.muli %arg1, %mul3A_14 : i32
    %add3A_16 = arith.constant 256 : i32
    %add3A_17 = arith.addi %mul3A_15, %add3A_16 : i32
    %run_scoped3A_18 = arith.constant 0 : i32
    "tpu.region"() ({
      %run_scoped3A_135 = tpu.sem_alloc : memref<!tpu.dma_semaphore, #tpu.memory_space<semaphore_mem>>
      %dma_start3A_136 = arith.constant 0 : i32
      %dma_start3A_137 = arith.constant 0 : i32
      %dma_start3A_138 = tpu.memref_slice %arg6[%run_scoped3A_18, %dma_start3A_136, %dma_start3A_137] : memref<2x128x128xf32, #tpu.memory_space<vmem>> -> memref<1x128x128xf32, #tpu.memory_space<vmem>>
      %dma_start3A_139 = tpu.memref_squeeze %dma_start3A_138 : memref<1x128x128xf32, #tpu.memory_space<vmem>> -> memref<128x128xf32, #tpu.memory_space<vmem>>
      %dma_start3A_140 = arith.constant 0 : i32
      %dma_start3A_141 = tpu.memref_slice %arg3[%add3A_17, %dma_start3A_140] : memref<8192x128xf32, #tpu.memory_space<hbm>> -> memref<128x128xf32, #tpu.memory_space<hbm>>
      %dma_start3A_142 = arith.constant 0 : i32
      %dma_start3A_143 = arith.constant 0 : i32
      %dma_start3A_144 = tpu.memref_slice %arg6[%run_scoped3A_18, %dma_start3A_142, %dma_start3A_143] : memref<2x128x128xf32, #tpu.memory_space<vmem>> -> memref<1x128x128xf32, #tpu.memory_space<vmem>>
      %dma_start3A_145 = tpu.memref_squeeze %dma_start3A_144 : memref<1x128x128xf32, #tpu.memory_space<vmem>> -> memref<128x128xf32, #tpu.memory_space<vmem>>
      %dma_start3A_146 = arith.constant 0 : i32
      %dma_start3A_147 = tpu.memref_slice %arg3[%add3A_17, %dma_start3A_146] : memref<8192x128xf32, #tpu.memory_space<hbm>> -> memref<128x128xf32, #tpu.memory_space<hbm>>
      tpu.enqueue_dma source(%dma_start3A_147 : memref<128x128xf32, #tpu.memory_space<hbm>>) target(%dma_start3A_145 : memref<128x128xf32, #tpu.memory_space<vmem>>) target_semaphore(%run_scoped3A_135 : memref<!tpu.dma_semaphore, #tpu.memory_space<semaphore_mem>>)
      %dma_wait3A_148 = arith.constant 0 : i32
      %dma_wait3A_149 = arith.constant 0 : i32
      %dma_wait3A_150 = tpu.memref_slice %arg6[%run_scoped3A_18, %dma_wait3A_148, %dma_wait3A_149] : memref<2x128x128xf32, #tpu.memory_space<vmem>> -> memref<1x128x128xf32, #tpu.memory_space<vmem>>
      %dma_wait3A_151 = tpu.memref_squeeze %dma_wait3A_150 : memref<1x128x128xf32, #tpu.memory_space<vmem>> -> memref<128x128xf32, #tpu.memory_space<vmem>>
      %dma_wait3A_152 = arith.constant 0 : i32
      %dma_wait3A_153 = tpu.memref_slice %arg3[%add3A_17, %dma_wait3A_152] : memref<8192x128xf32, #tpu.memory_space<hbm>> -> memref<128x128xf32, #tpu.memory_space<hbm>>
      %dma_wait3A_154 = arith.constant 0 : i32
      %dma_wait3A_155 = arith.constant 0 : i32
      %dma_wait3A_156 = tpu.memref_slice %arg6[%run_scoped3A_18, %dma_wait3A_154, %dma_wait3A_155] : memref<2x128x128xf32, #tpu.memory_space<vmem>> -> memref<1x128x128xf32, #tpu.memory_space<vmem>>
      %dma_wait3A_157 = tpu.memref_squeeze %dma_wait3A_156 : memref<1x128x128xf32, #tpu.memory_space<vmem>> -> memref<128x128xf32, #tpu.memory_space<vmem>>
      %dma_wait3A_158 = arith.constant 0 : i32
      %dma_wait3A_159 = tpu.memref_slice %arg3[%add3A_17, %dma_wait3A_158] : memref<8192x128xf32, #tpu.memory_space<hbm>> -> memref<128x128xf32, #tpu.memory_space<hbm>>
      tpu.wait_dma2 semaphore(%run_scoped3A_135 : memref<!tpu.dma_semaphore, #tpu.memory_space<semaphore_mem>>) src(%dma_wait3A_159 : memref<128x128xf32, #tpu.memory_space<hbm>>) dst(%dma_wait3A_157 : memref<128x128xf32, #tpu.memory_space<vmem>>)
      tpu.yield
    }) : () -> ()
    %run_scoped3A_19 = arith.constant 0 : i32
    "tpu.region"() ({
      %run_scoped3A_135 = tpu.sem_alloc : memref<!tpu.dma_semaphore, #tpu.memory_space<semaphore_mem>>
      %dma_start3A_136 = arith.constant 0 : i32
      %dma_start3A_137 = arith.constant 0 : i32
      %dma_start3A_138 = tpu.memref_slice %arg6[%run_scoped3A_19, %dma_start3A_136, %dma_start3A_137] : memref<2x128x128xf32, #tpu.memory_space<vmem>> -> memref<1x128x128xf32, #tpu.memory_space<vmem>>
      %dma_start3A_139 = tpu.memref_squeeze %dma_start3A_138 : memref<1x128x128xf32, #tpu.memory_space<vmem>> -> memref<128x128xf32, #tpu.memory_space<vmem>>
      %dma_start3A_140 = arith.constant 0 : i32
      %dma_start3A_141 = tpu.memref_slice %arg7[%add3A_17, %dma_start3A_140] : memref<8192x128xf32, #tpu.memory_space<vmem_shared>> -> memref<128x128xf32, #tpu.memory_space<vmem_shared>>
      %dma_start3A_142 = arith.constant 0 : i32
      %dma_start3A_143 = tpu.memref_slice %arg7[%add3A_17, %dma_start3A_142] : memref<8192x128xf32, #tpu.memory_space<vmem_shared>> -> memref<128x128xf32, #tpu.memory_space<vmem_shared>>
      %dma_start3A_144 = arith.constant 0 : i32
      %dma_start3A_145 = arith.constant 0 : i32
      %dma_start3A_146 = tpu.memref_slice %arg6[%run_scoped3A_19, %dma_start3A_144, %dma_start3A_145] : memref<2x128x128xf32, #tpu.memory_space<vmem>> -> memref<1x128x128xf32, #tpu.memory_space<vmem>>
      %dma_start3A_147 = tpu.memref_squeeze %dma_start3A_146 : memref<1x128x128xf32, #tpu.memory_space<vmem>> -> memref<128x128xf32, #tpu.memory_space<vmem>>
      tpu.enqueue_dma source(%dma_start3A_147 : memref<128x128xf32, #tpu.memory_space<vmem>>) target(%dma_start3A_143 : memref<128x128xf32, #tpu.memory_space<vmem_shared>>) target_semaphore(%run_scoped3A_135 : memref<!tpu.dma_semaphore, #tpu.memory_space<semaphore_mem>>)
      %dma_wait3A_148 = arith.constant 0 : i32
      %dma_wait3A_149 = arith.constant 0 : i32
      %dma_wait3A_150 = tpu.memref_slice %arg6[%run_scoped3A_19, %dma_wait3A_148, %dma_wait3A_149] : memref<2x128x128xf32, #tpu.memory_space<vmem>> -> memref<1x128x128xf32, #tpu.memory_space<vmem>>
      %dma_wait3A_151 = tpu.memref_squeeze %dma_wait3A_150 : memref<1x128x128xf32, #tpu.memory_space<vmem>> -> memref<128x128xf32, #tpu.memory_space<vmem>>
      %dma_wait3A_152 = arith.constant 0 : i32
      %dma_wait3A_153 = tpu.memref_slice %arg7[%add3A_17, %dma_wait3A_152] : memref<8192x128xf32, #tpu.memory_space<vmem_shared>> -> memref<128x128xf32, #tpu.memory_space<vmem_shared>>
      %dma_wait3A_154 = arith.constant 0 : i32
      %dma_wait3A_155 = tpu.memref_slice %arg7[%add3A_17, %dma_wait3A_154] : memref<8192x128xf32, #tpu.memory_space<vmem_shared>> -> memref<128x128xf32, #tpu.memory_space<vmem_shared>>
      %dma_wait3A_156 = arith.constant 0 : i32
      %dma_wait3A_157 = arith.constant 0 : i32
      %dma_wait3A_158 = tpu.memref_slice %arg6[%run_scoped3A_19, %dma_wait3A_156, %dma_wait3A_157] : memref<2x128x128xf32, #tpu.memory_space<vmem>> -> memref<1x128x128xf32, #tpu.memory_space<vmem>>
      %dma_wait3A_159 = tpu.memref_squeeze %dma_wait3A_158 : memref<1x128x128xf32, #tpu.memory_space<vmem>> -> memref<128x128xf32, #tpu.memory_space<vmem>>
      tpu.wait_dma2 semaphore(%run_scoped3A_135 : memref<!tpu.dma_semaphore, #tpu.memory_space<semaphore_mem>>) src(%dma_wait3A_159 : memref<128x128xf32, #tpu.memory_space<vmem>>) dst(%dma_wait3A_155 : memref<128x128xf32, #tpu.memory_space<vmem_shared>>)
      tpu.yield
    }) : () -> ()
    %mul3A_20 = arith.constant 512 : i32
    %mul3A_21 = arith.muli %arg1, %mul3A_20 : i32
    %add3A_22 = arith.constant 384 : i32
    %add3A_23 = arith.addi %mul3A_21, %add3A_22 : i32
    %run_scoped3A_24 = arith.constant 0 : i32
    "tpu.region"() ({
      %run_scoped3A_135 = tpu.sem_alloc : memref<!tpu.dma_semaphore, #tpu.memory_space<semaphore_mem>>
      %dma_start3A_136 = arith.constant 0 : i32
      %dma_start3A_137 = arith.constant 0 : i32
      %dma_start3A_138 = tpu.memref_slice %arg6[%run_scoped3A_24, %dma_start3A_136, %dma_start3A_137] : memref<2x128x128xf32, #tpu.memory_space<vmem>> -> memref<1x128x128xf32, #tpu.memory_space<vmem>>
      %dma_start3A_139 = tpu.memref_squeeze %dma_start3A_138 : memref<1x128x128xf32, #tpu.memory_space<vmem>> -> memref<128x128xf32, #tpu.memory_space<vmem>>
      %dma_start3A_140 = arith.constant 0 : i32
      %dma_start3A_141 = tpu.memref_slice %arg3[%add3A_23, %dma_start3A_140] : memref<8192x128xf32, #tpu.memory_space<hbm>> -> memref<128x128xf32, #tpu.memory_space<hbm>>
      %dma_start3A_142 = arith.constant 0 : i32
      %dma_start3A_143 = arith.constant 0 : i32
      %dma_start3A_144 = tpu.memref_slice %arg6[%run_scoped3A_24, %dma_start3A_142, %dma_start3A_143] : memref<2x128x128xf32, #tpu.memory_space<vmem>> -> memref<1x128x128xf32, #tpu.memory_space<vmem>>
      %dma_start3A_145 = tpu.memref_squeeze %dma_start3A_144 : memref<1x128x128xf32, #tpu.memory_space<vmem>> -> memref<128x128xf32, #tpu.memory_space<vmem>>
      %dma_start3A_146 = arith.constant 0 : i32
      %dma_start3A_147 = tpu.memref_slice %arg3[%add3A_23, %dma_start3A_146] : memref<8192x128xf32, #tpu.memory_space<hbm>> -> memref<128x128xf32, #tpu.memory_space<hbm>>
      tpu.enqueue_dma source(%dma_start3A_147 : memref<128x128xf32, #tpu.memory_space<hbm>>) target(%dma_start3A_145 : memref<128x128xf32, #tpu.memory_space<vmem>>) target_semaphore(%run_scoped3A_135 : memref<!tpu.dma_semaphore, #tpu.memory_space<semaphore_mem>>)
      %dma_wait3A_148 = arith.constant 0 : i32
      %dma_wait3A_149 = arith.constant 0 : i32
      %dma_wait3A_150 = tpu.memref_slice %arg6[%run_scoped3A_24, %dma_wait3A_148, %dma_wait3A_149] : memref<2x128x128xf32, #tpu.memory_space<vmem>> -> memref<1x128x128xf32, #tpu.memory_space<vmem>>
      %dma_wait3A_151 = tpu.memref_squeeze %dma_wait3A_150 : memref<1x128x128xf32, #tpu.memory_space<vmem>> -> memref<128x128xf32, #tpu.memory_space<vmem>>
      %dma_wait3A_152 = arith.constant 0 : i32
      %dma_wait3A_153 = tpu.memref_slice %arg3[%add3A_23, %dma_wait3A_152] : memref<8192x128xf32, #tpu.memory_space<hbm>> -> memref<128x128xf32, #tpu.memory_space<hbm>>
      %dma_wait3A_154 = arith.constant 0 : i32
      %dma_wait3A_155 = arith.constant 0 : i32
      %dma_wait3A_156 = tpu.memref_slice %arg6[%run_scoped3A_24, %dma_wait3A_154, %dma_wait3A_155] : memref<2x128x128xf32, #tpu.memory_space<vmem>> -> memref<1x128x128xf32, #tpu.memory_space<vmem>>
      %dma_wait3A_157 = tpu.memref_squeeze %dma_wait3A_156 : memref<1x128x128xf32, #tpu.memory_space<vmem>> -> memref<128x128xf32, #tpu.memory_space<vmem>>
      %dma_wait3A_158 = arith.constant 0 : i32
      %dma_wait3A_159 = tpu.memref_slice %arg3[%add3A_23, %dma_wait3A_158] : memref<8192x128xf32, #tpu.memory_space<hbm>> -> memref<128x128xf32, #tpu.memory_space<hbm>>
      tpu.wait_dma2 semaphore(%run_scoped3A_135 : memref<!tpu.dma_semaphore, #tpu.memory_space<semaphore_mem>>) src(%dma_wait3A_159 : memref<128x128xf32, #tpu.memory_space<hbm>>) dst(%dma_wait3A_157 : memref<128x128xf32, #tpu.memory_space<vmem>>)
      tpu.yield
    }) : () -> ()
    %run_scoped3A_25 = arith.constant 0 : i32
    "tpu.region"() ({
      %run_scoped3A_135 = tpu.sem_alloc : memref<!tpu.dma_semaphore, #tpu.memory_space<semaphore_mem>>
      %dma_start3A_136 = arith.constant 0 : i32
      %dma_start3A_137 = arith.constant 0 : i32
      %dma_start3A_138 = tpu.memref_slice %arg6[%run_scoped3A_25, %dma_start3A_136, %dma_start3A_137] : memref<2x128x128xf32, #tpu.memory_space<vmem>> -> memref<1x128x128xf32, #tpu.memory_space<vmem>>
      %dma_start3A_139 = tpu.memref_squeeze %dma_start3A_138 : memref<1x128x128xf32, #tpu.memory_space<vmem>> -> memref<128x128xf32, #tpu.memory_space<vmem>>
      %dma_start3A_140 = arith.constant 0 : i32
      %dma_start3A_141 = tpu.memref_slice %arg7[%add3A_23, %dma_start3A_140] : memref<8192x128xf32, #tpu.memory_space<vmem_shared>> -> memref<128x128xf32, #tpu.memory_space<vmem_shared>>
      %dma_start3A_142 = arith.constant 0 : i32
      %dma_start3A_143 = tpu.memref_slice %arg7[%add3A_23, %dma_start3A_142] : memref<8192x128xf32, #tpu.memory_space<vmem_shared>> -> memref<128x128xf32, #tpu.memory_space<vmem_shared>>
      %dma_start3A_144 = arith.constant 0 : i32
      %dma_start3A_145 = arith.constant 0 : i32
      %dma_start3A_146 = tpu.memref_slice %arg6[%run_scoped3A_25, %dma_start3A_144, %dma_start3A_145] : memref<2x128x128xf32, #tpu.memory_space<vmem>> -> memref<1x128x128xf32, #tpu.memory_space<vmem>>
      %dma_start3A_147 = tpu.memref_squeeze %dma_start3A_146 : memref<1x128x128xf32, #tpu.memory_space<vmem>> -> memref<128x128xf32, #tpu.memory_space<vmem>>
      tpu.enqueue_dma source(%dma_start3A_147 : memref<128x128xf32, #tpu.memory_space<vmem>>) target(%dma_start3A_143 : memref<128x128xf32, #tpu.memory_space<vmem_shared>>) target_semaphore(%run_scoped3A_135 : memref<!tpu.dma_semaphore, #tpu.memory_space<semaphore_mem>>)
      %dma_wait3A_148 = arith.constant 0 : i32
      %dma_wait3A_149 = arith.constant 0 : i32
      %dma_wait3A_150 = tpu.memref_slice %arg6[%run_scoped3A_25, %dma_wait3A_148, %dma_wait3A_149] : memref<2x128x128xf32, #tpu.memory_space<vmem>> -> memref<1x128x128xf32, #tpu.memory_space<vmem>>
      %dma_wait3A_151 = tpu.memref_squeeze %dma_wait3A_150 : memref<1x128x128xf32, #tpu.memory_space<vmem>> -> memref<128x128xf32, #tpu.memory_space<vmem>>
      %dma_wait3A_152 = arith.constant 0 : i32
      %dma_wait3A_153 = tpu.memref_slice %arg7[%add3A_23, %dma_wait3A_152] : memref<8192x128xf32, #tpu.memory_space<vmem_shared>> -> memref<128x128xf32, #tpu.memory_space<vmem_shared>>
      %dma_wait3A_154 = arith.constant 0 : i32
      %dma_wait3A_155 = tpu.memref_slice %arg7[%add3A_23, %dma_wait3A_154] : memref<8192x128xf32, #tpu.memory_space<vmem_shared>> -> memref<128x128xf32, #tpu.memory_space<vmem_shared>>
      %dma_wait3A_156 = arith.constant 0 : i32
      %dma_wait3A_157 = arith.constant 0 : i32
      %dma_wait3A_158 = tpu.memref_slice %arg6[%run_scoped3A_25, %dma_wait3A_156, %dma_wait3A_157] : memref<2x128x128xf32, #tpu.memory_space<vmem>> -> memref<1x128x128xf32, #tpu.memory_space<vmem>>
      %dma_wait3A_159 = tpu.memref_squeeze %dma_wait3A_158 : memref<1x128x128xf32, #tpu.memory_space<vmem>> -> memref<128x128xf32, #tpu.memory_space<vmem>>
      tpu.wait_dma2 semaphore(%run_scoped3A_135 : memref<!tpu.dma_semaphore, #tpu.memory_space<semaphore_mem>>) src(%dma_wait3A_159 : memref<128x128xf32, #tpu.memory_space<vmem>>) dst(%dma_wait3A_155 : memref<128x128xf32, #tpu.memory_space<vmem_shared>>)
      tpu.yield
    }) : () -> ()
    %mul3A_26 = arith.constant 200 : i32
    %mul3A_27 = arith.muli %add3A, %mul3A_26 : i32
    "tpu.region"() ({
      %run_scoped3A_135 = tpu.sem_alloc : memref<!tpu.dma_semaphore, #tpu.memory_space<semaphore_mem>>
      %dma_start3A_136 = arith.constant 0 : i32
      %dma_start3A_137 = tpu.memref_slice %arg2[%mul3A_27, %dma_start3A_136] : memref<6400x128xi32, #tpu.memory_space<hbm>> -> memref<200x128xi32, #tpu.memory_space<hbm>>
      %dma_start3A_138 = arith.constant 0 : i32
      %dma_start3A_139 = tpu.memref_slice %arg2[%mul3A_27, %dma_start3A_138] : memref<6400x128xi32, #tpu.memory_space<hbm>> -> memref<200x128xi32, #tpu.memory_space<hbm>>
      tpu.enqueue_dma source(%dma_start3A_139 : memref<200x128xi32, #tpu.memory_space<hbm>>) target(%arg5 : memref<200x128xi32, #tpu.memory_space<vmem>>) target_semaphore(%run_scoped3A_135 : memref<!tpu.dma_semaphore, #tpu.memory_space<semaphore_mem>>)
      %dma_wait3A_140 = arith.constant 0 : i32
      %dma_wait3A_141 = tpu.memref_slice %arg2[%mul3A_27, %dma_wait3A_140] : memref<6400x128xi32, #tpu.memory_space<hbm>> -> memref<200x128xi32, #tpu.memory_space<hbm>>
      %dma_wait3A_142 = arith.constant 0 : i32
      %dma_wait3A_143 = tpu.memref_slice %arg2[%mul3A_27, %dma_wait3A_142] : memref<6400x128xi32, #tpu.memory_space<hbm>> -> memref<200x128xi32, #tpu.memory_space<hbm>>
      tpu.wait_dma2 semaphore(%run_scoped3A_135 : memref<!tpu.dma_semaphore, #tpu.memory_space<semaphore_mem>>) src(%dma_wait3A_143 : memref<200x128xi32, #tpu.memory_space<hbm>>) dst(%arg5 : memref<200x128xi32, #tpu.memory_space<vmem>>)
      tpu.yield
    }) : () -> ()
    %barrier3A = arith.constant 0 : index
    tpu.barrier barrier_id(%barrier3A)
    %dma_start3A = arith.constant 0 : i32
    %dma_start3A_28 = arith.constant 0 : i32
    %dma_start3A_29 = arith.constant 0 : i32
    %dma_start3A_30 = arith.constant 0 : i32
    %dma_start3A_31 = tpu.memref_slice %arg6[%dma_start3A_28, %dma_start3A_29, %dma_start3A_30] : memref<2x128x128xf32, #tpu.memory_space<vmem>> -> memref<1x128x128xf32, #tpu.memory_space<vmem>>
    %dma_start3A_32 = tpu.memref_squeeze %dma_start3A_31 : memref<1x128x128xf32, #tpu.memory_space<vmem>> -> memref<128x128xf32, #tpu.memory_space<vmem>>
    %dma_start3A_33 = arith.constant 0 : i32
    %dma_start3A_34 = tpu.memref_slice %arg5[%dma_start3A, %dma_start3A_33] : memref<200x128xi32, #tpu.memory_space<vmem>> -> memref<1x128xi32, #tpu.memory_space<vmem>>
    %dma_start3A_35 = tpu.memref_squeeze %dma_start3A_34 : memref<1x128xi32, #tpu.memory_space<vmem>> -> memref<128xi32, #tpu.memory_space<vmem>>
    %dma_start3A_36 = arith.constant 0 : i32
    %dma_start3A_37 = arith.constant 0 : i32
    %dma_start3A_38 = tpu.memref_slice %arg7[%dma_start3A_36, %dma_start3A_37] : memref<8192x128xf32, #tpu.memory_space<vmem_shared>> -> memref<8192x128xf32, #tpu.memory_space<vmem_shared>>
    tpu.enqueue_indirect_dma source(%dma_start3A_38 : memref<8192x128xf32, #tpu.memory_space<vmem_shared>>) target(%dma_start3A_32 : memref<128x128xf32, #tpu.memory_space<vmem>>) offsets(%dma_start3A_35 : memref<128xi32, #tpu.memory_space<vmem>>) semaphore(%arg8 : memref<!tpu.dma_semaphore, #tpu.memory_space<semaphore_mem>>)
    %dma_wait3A = arith.constant 0 : i32
    %dma_wait3A_39 = arith.constant 0 : i32
    %dma_wait3A_40 = arith.constant 0 : i32
    %dma_wait3A_41 = arith.constant 0 : i32
    %dma_wait3A_42 = tpu.memref_slice %arg6[%dma_wait3A_39, %dma_wait3A_40, %dma_wait3A_41] : memref<2x128x128xf32, #tpu.memory_space<vmem>> -> memref<1x128x128xf32, #tpu.memory_space<vmem>>
    %dma_wait3A_43 = tpu.memref_squeeze %dma_wait3A_42 : memref<1x128x128xf32, #tpu.memory_space<vmem>> -> memref<128x128xf32, #tpu.memory_space<vmem>>
    %dma_wait3A_44 = arith.constant 0 : i32
    %dma_wait3A_45 = tpu.memref_slice %arg5[%dma_wait3A, %dma_wait3A_44] : memref<200x128xi32, #tpu.memory_space<vmem>> -> memref<1x128xi32, #tpu.memory_space<vmem>>
    %dma_wait3A_46 = tpu.memref_squeeze %dma_wait3A_45 : memref<1x128xi32, #tpu.memory_space<vmem>> -> memref<128xi32, #tpu.memory_space<vmem>>
    %dma_wait3A_47 = arith.constant 0 : i32
    %dma_wait3A_48 = arith.constant 0 : i32
    %dma_wait3A_49 = tpu.memref_slice %arg7[%dma_wait3A_47, %dma_wait3A_48] : memref<8192x128xf32, #tpu.memory_space<vmem_shared>> -> memref<8192x128xf32, #tpu.memory_space<vmem_shared>>
    tpu.wait_indirect_dma semaphore(%arg8 : memref<!tpu.dma_semaphore, #tpu.memory_space<semaphore_mem>>) src(%dma_wait3A_49 : memref<8192x128xf32, #tpu.memory_space<vmem_shared>>) dst(%dma_wait3A_43 : memref<128x128xf32, #tpu.memory_space<vmem>>)
    %add3A_50 = arith.constant 0 : i32
    %add3A_51 = arith.addi %mul3A_2, %add3A_50 : i32
    %dma_start3A_52 = arith.constant 0 : i32
    %dma_start3A_53 = arith.constant 0 : i32
    %dma_start3A_54 = arith.constant 0 : i32
    %dma_start3A_55 = tpu.memref_slice %arg6[%dma_start3A_52, %dma_start3A_53, %dma_start3A_54] : memref<2x128x128xf32, #tpu.memory_space<vmem>> -> memref<1x128x128xf32, #tpu.memory_space<vmem>>
    %dma_start3A_56 = tpu.memref_squeeze %dma_start3A_55 : memref<1x128x128xf32, #tpu.memory_space<vmem>> -> memref<128x128xf32, #tpu.memory_space<vmem>>
    %dma_start3A_57 = arith.constant 0 : i32
    %dma_start3A_58 = tpu.memref_slice %arg4[%add3A_51, %dma_start3A_57] : memref<819200x128xf32, #tpu.memory_space<hbm>> -> memref<128x128xf32, #tpu.memory_space<hbm>>
    %dma_start3A_59 = arith.constant 0 : i32
    %dma_start3A_60 = tpu.memref_slice %arg4[%add3A_51, %dma_start3A_59] : memref<819200x128xf32, #tpu.memory_space<hbm>> -> memref<128x128xf32, #tpu.memory_space<hbm>>
    %dma_start3A_61 = arith.constant 0 : i32
    %dma_start3A_62 = arith.constant 0 : i32
    %dma_start3A_63 = tpu.memref_slice %arg6[%dma_start3A_52, %dma_start3A_61, %dma_start3A_62] : memref<2x128x128xf32, #tpu.memory_space<vmem>> -> memref<1x128x128xf32, #tpu.memory_space<vmem>>
    %dma_start3A_64 = tpu.memref_squeeze %dma_start3A_63 : memref<1x128x128xf32, #tpu.memory_space<vmem>> -> memref<128x128xf32, #tpu.memory_space<vmem>>
    tpu.enqueue_dma source(%dma_start3A_64 : memref<128x128xf32, #tpu.memory_space<vmem>>) target(%dma_start3A_60 : memref<128x128xf32, #tpu.memory_space<hbm>>) target_semaphore(%arg10 : memref<!tpu.dma_semaphore, #tpu.memory_space<semaphore_mem>>)
    %dma_start3A_65 = arith.constant 1 : i32
    %dma_start3A_66 = arith.constant 1 : i32
    %dma_start3A_67 = arith.constant 0 : i32
    %dma_start3A_68 = arith.constant 0 : i32
    %dma_start3A_69 = tpu.memref_slice %arg6[%dma_start3A_66, %dma_start3A_67, %dma_start3A_68] : memref<2x128x128xf32, #tpu.memory_space<vmem>> -> memref<1x128x128xf32, #tpu.memory_space<vmem>>
    %dma_start3A_70 = tpu.memref_squeeze %dma_start3A_69 : memref<1x128x128xf32, #tpu.memory_space<vmem>> -> memref<128x128xf32, #tpu.memory_space<vmem>>
    %dma_start3A_71 = arith.constant 0 : i32
    %dma_start3A_72 = tpu.memref_slice %arg5[%dma_start3A_65, %dma_start3A_71] : memref<200x128xi32, #tpu.memory_space<vmem>> -> memref<1x128xi32, #tpu.memory_space<vmem>>
    %dma_start3A_73 = tpu.memref_squeeze %dma_start3A_72 : memref<1x128xi32, #tpu.memory_space<vmem>> -> memref<128xi32, #tpu.memory_space<vmem>>
    %dma_start3A_74 = arith.constant 0 : i32
    %dma_start3A_75 = arith.constant 0 : i32
    %dma_start3A_76 = tpu.memref_slice %arg7[%dma_start3A_74, %dma_start3A_75] : memref<8192x128xf32, #tpu.memory_space<vmem_shared>> -> memref<8192x128xf32, #tpu.memory_space<vmem_shared>>
    tpu.enqueue_indirect_dma source(%dma_start3A_76 : memref<8192x128xf32, #tpu.memory_space<vmem_shared>>) target(%dma_start3A_70 : memref<128x128xf32, #tpu.memory_space<vmem>>) offsets(%dma_start3A_73 : memref<128xi32, #tpu.memory_space<vmem>>) semaphore(%arg9 : memref<!tpu.dma_semaphore, #tpu.memory_space<semaphore_mem>>)
    %dma_wait3A_77 = arith.constant 1 : i32
    %dma_wait3A_78 = arith.constant 1 : i32
    %dma_wait3A_79 = arith.constant 0 : i32
    %dma_wait3A_80 = arith.constant 0 : i32
    %dma_wait3A_81 = tpu.memref_slice %arg6[%dma_wait3A_78, %dma_wait3A_79, %dma_wait3A_80] : memref<2x128x128xf32, #tpu.memory_space<vmem>> -> memref<1x128x128xf32, #tpu.memory_space<vmem>>
    %dma_wait3A_82 = tpu.memref_squeeze %dma_wait3A_81 : memref<1x128x128xf32, #tpu.memory_space<vmem>> -> memref<128x128xf32, #tpu.memory_space<vmem>>
    %dma_wait3A_83 = arith.constant 0 : i32
    %dma_wait3A_84 = tpu.memref_slice %arg5[%dma_wait3A_77, %dma_wait3A_83] : memref<200x128xi32, #tpu.memory_space<vmem>> -> memref<1x128xi32, #tpu.memory_space<vmem>>
    %dma_wait3A_85 = tpu.memref_squeeze %dma_wait3A_84 : memref<1x128xi32, #tpu.memory_space<vmem>> -> memref<128xi32, #tpu.memory_space<vmem>>
    %dma_wait3A_86 = arith.constant 0 : i32
    %dma_wait3A_87 = arith.constant 0 : i32
    %dma_wait3A_88 = tpu.memref_slice %arg7[%dma_wait3A_86, %dma_wait3A_87] : memref<8192x128xf32, #tpu.memory_space<vmem_shared>> -> memref<8192x128xf32, #tpu.memory_space<vmem_shared>>
    tpu.wait_indirect_dma semaphore(%arg9 : memref<!tpu.dma_semaphore, #tpu.memory_space<semaphore_mem>>) src(%dma_wait3A_88 : memref<8192x128xf32, #tpu.memory_space<vmem_shared>>) dst(%dma_wait3A_82 : memref<128x128xf32, #tpu.memory_space<vmem>>)
    %add3A_89 = arith.constant 128 : i32
    %add3A_90 = arith.addi %mul3A_2, %add3A_89 : i32
    %dma_start3A_91 = arith.constant 1 : i32
    %dma_start3A_92 = arith.constant 0 : i32
    %dma_start3A_93 = arith.constant 0 : i32
    %dma_start3A_94 = tpu.memref_slice %arg6[%dma_start3A_91, %dma_start3A_92, %dma_start3A_93] : memref<2x128x128xf32, #tpu.memory_space<vmem>> -> memref<1x128x128xf32, #tpu.memory_space<vmem>>
    %dma_start3A_95 = tpu.memref_squeeze %dma_start3A_94 : memref<1x128x128xf32, #tpu.memory_space<vmem>> -> memref<128x128xf32, #tpu.memory_space<vmem>>
    %dma_start3A_96 = arith.constant 0 : i32
    %dma_start3A_97 = tpu.memref_slice %arg4[%add3A_90, %dma_start3A_96] : memref<819200x128xf32, #tpu.memory_space<hbm>> -> memref<128x128xf32, #tpu.memory_space<hbm>>
    %dma_start3A_98 = arith.constant 0 : i32
    %dma_start3A_99 = tpu.memref_slice %arg4[%add3A_90, %dma_start3A_98] : memref<819200x128xf32, #tpu.memory_space<hbm>> -> memref<128x128xf32, #tpu.memory_space<hbm>>
    %dma_start3A_100 = arith.constant 0 : i32
    %dma_start3A_101 = arith.constant 0 : i32
    %dma_start3A_102 = tpu.memref_slice %arg6[%dma_start3A_91, %dma_start3A_100, %dma_start3A_101] : memref<2x128x128xf32, #tpu.memory_space<vmem>> -> memref<1x128x128xf32, #tpu.memory_space<vmem>>
    %dma_start3A_103 = tpu.memref_squeeze %dma_start3A_102 : memref<1x128x128xf32, #tpu.memory_space<vmem>> -> memref<128x128xf32, #tpu.memory_space<vmem>>
    tpu.enqueue_dma source(%dma_start3A_103 : memref<128x128xf32, #tpu.memory_space<vmem>>) target(%dma_start3A_99 : memref<128x128xf32, #tpu.memory_space<hbm>>) target_semaphore(%arg11 : memref<!tpu.dma_semaphore, #tpu.memory_space<semaphore_mem>>)
    %scan3A = arith.constant 0 : i32
    %scan3A_104 = arith.constant 1 : i32
    %scan3A_105 = arith.constant 99 : i32
    %scan3A_106 = arith.addi %scan3A_104, %scan3A_105 : i32
    %scan3A_107 = arith.constant 1 : i32
    scf.for %scan3A_135 = %scan3A_104 to %scan3A_106 step %scan3A_107  : i32 {
      %mul3A_136 = arith.constant 2 : i32
      %mul3A_137 = arith.muli %scan3A_135, %mul3A_136 : i32
      %add3A_138 = arith.constant 0 : i32
      %add3A_139 = arith.addi %mul3A_137, %add3A_138 : i32
      %dma_wait3A_140 = arith.constant 0 : i32
      %dma_wait3A_141 = arith.constant 0 : i32
      %dma_wait3A_142 = arith.constant 0 : i32
      %dma_wait3A_143 = tpu.memref_slice %arg6[%dma_wait3A_140, %dma_wait3A_141, %dma_wait3A_142] : memref<2x128x128xf32, #tpu.memory_space<vmem>> -> memref<1x128x128xf32, #tpu.memory_space<vmem>>
      %dma_wait3A_144 = tpu.memref_squeeze %dma_wait3A_143 : memref<1x128x128xf32, #tpu.memory_space<vmem>> -> memref<128x128xf32, #tpu.memory_space<vmem>>
      %dma_wait3A_145 = arith.constant 0 : i32
      %dma_wait3A_146 = tpu.memref_slice %arg4[%mul3A_2, %dma_wait3A_145] : memref<819200x128xf32, #tpu.memory_space<hbm>> -> memref<128x128xf32, #tpu.memory_space<hbm>>
      %dma_wait3A_147 = arith.constant 0 : i32
      %dma_wait3A_148 = tpu.memref_slice %arg4[%mul3A_2, %dma_wait3A_147] : memref<819200x128xf32, #tpu.memory_space<hbm>> -> memref<128x128xf32, #tpu.memory_space<hbm>>
      %dma_wait3A_149 = arith.constant 0 : i32
      %dma_wait3A_150 = arith.constant 0 : i32
      %dma_wait3A_151 = tpu.memref_slice %arg6[%dma_wait3A_140, %dma_wait3A_149, %dma_wait3A_150] : memref<2x128x128xf32, #tpu.memory_space<vmem>> -> memref<1x128x128xf32, #tpu.memory_space<vmem>>
      %dma_wait3A_152 = tpu.memref_squeeze %dma_wait3A_151 : memref<1x128x128xf32, #tpu.memory_space<vmem>> -> memref<128x128xf32, #tpu.memory_space<vmem>>
      tpu.wait_dma2 semaphore(%arg10 : memref<!tpu.dma_semaphore, #tpu.memory_space<semaphore_mem>>) src(%dma_wait3A_152 : memref<128x128xf32, #tpu.memory_space<vmem>>) dst(%dma_wait3A_148 : memref<128x128xf32, #tpu.memory_space<hbm>>)
      %dma_start3A_153 = arith.constant 0 : i32
      %dma_start3A_154 = arith.constant 0 : i32
      %dma_start3A_155 = arith.constant 0 : i32
      %dma_start3A_156 = tpu.memref_slice %arg6[%dma_start3A_153, %dma_start3A_154, %dma_start3A_155] : memref<2x128x128xf32, #tpu.memory_space<vmem>> -> memref<1x128x128xf32, #tpu.memory_space<vmem>>
      %dma_start3A_157 = tpu.memref_squeeze %dma_start3A_156 : memref<1x128x128xf32, #tpu.memory_space<vmem>> -> memref<128x128xf32, #tpu.memory_space<vmem>>
      %dma_start3A_158 = arith.constant 0 : i32
      %dma_start3A_159 = tpu.memref_slice %arg5[%add3A_139, %dma_start3A_158] : memref<200x128xi32, #tpu.memory_space<vmem>> -> memref<1x128xi32, #tpu.memory_space<vmem>>
      %dma_start3A_160 = tpu.memref_squeeze %dma_start3A_159 : memref<1x128xi32, #tpu.memory_space<vmem>> -> memref<128xi32, #tpu.memory_space<vmem>>
      %dma_start3A_161 = arith.constant 0 : i32
      %dma_start3A_162 = arith.constant 0 : i32
      %dma_start3A_163 = tpu.memref_slice %arg7[%dma_start3A_161, %dma_start3A_162] : memref<8192x128xf32, #tpu.memory_space<vmem_shared>> -> memref<8192x128xf32, #tpu.memory_space<vmem_shared>>
      tpu.enqueue_indirect_dma source(%dma_start3A_163 : memref<8192x128xf32, #tpu.memory_space<vmem_shared>>) target(%dma_start3A_157 : memref<128x128xf32, #tpu.memory_space<vmem>>) offsets(%dma_start3A_160 : memref<128xi32, #tpu.memory_space<vmem>>) semaphore(%arg8 : memref<!tpu.dma_semaphore, #tpu.memory_space<semaphore_mem>>)
      %dma_wait3A_164 = arith.constant 0 : i32
      %dma_wait3A_165 = arith.constant 0 : i32
      %dma_wait3A_166 = arith.constant 0 : i32
      %dma_wait3A_167 = tpu.memref_slice %arg6[%dma_wait3A_164, %dma_wait3A_165, %dma_wait3A_166] : memref<2x128x128xf32, #tpu.memory_space<vmem>> -> memref<1x128x128xf32, #tpu.memory_space<vmem>>
      %dma_wait3A_168 = tpu.memref_squeeze %dma_wait3A_167 : memref<1x128x128xf32, #tpu.memory_space<vmem>> -> memref<128x128xf32, #tpu.memory_space<vmem>>
      %dma_wait3A_169 = arith.constant 0 : i32
      %dma_wait3A_170 = tpu.memref_slice %arg5[%add3A_139, %dma_wait3A_169] : memref<200x128xi32, #tpu.memory_space<vmem>> -> memref<1x128xi32, #tpu.memory_space<vmem>>
      %dma_wait3A_171 = tpu.memref_squeeze %dma_wait3A_170 : memref<1x128xi32, #tpu.memory_space<vmem>> -> memref<128xi32, #tpu.memory_space<vmem>>
      %dma_wait3A_172 = arith.constant 0 : i32
      %dma_wait3A_173 = arith.constant 0 : i32
      %dma_wait3A_174 = tpu.memref_slice %arg7[%dma_wait3A_172, %dma_wait3A_173] : memref<8192x128xf32, #tpu.memory_space<vmem_shared>> -> memref<8192x128xf32, #tpu.memory_space<vmem_shared>>
      tpu.wait_indirect_dma semaphore(%arg8 : memref<!tpu.dma_semaphore, #tpu.memory_space<semaphore_mem>>) src(%dma_wait3A_174 : memref<8192x128xf32, #tpu.memory_space<vmem_shared>>) dst(%dma_wait3A_168 : memref<128x128xf32, #tpu.memory_space<vmem>>)
      %mul3A_175 = arith.constant 128 : i32
      %mul3A_176 = arith.muli %add3A_139, %mul3A_175 : i32
      %add3A_177 = arith.addi %mul3A_2, %mul3A_176 : i32
      %dma_start3A_178 = arith.constant 0 : i32
      %dma_start3A_179 = arith.constant 0 : i32
      %dma_start3A_180 = arith.constant 0 : i32
      %dma_start3A_181 = tpu.memref_slice %arg6[%dma_start3A_178, %dma_start3A_179, %dma_start3A_180] : memref<2x128x128xf32, #tpu.memory_space<vmem>> -> memref<1x128x128xf32, #tpu.memory_space<vmem>>
      %dma_start3A_182 = tpu.memref_squeeze %dma_start3A_181 : memref<1x128x128xf32, #tpu.memory_space<vmem>> -> memref<128x128xf32, #tpu.memory_space<vmem>>
      %dma_start3A_183 = arith.constant 0 : i32
      %dma_start3A_184 = tpu.memref_slice %arg4[%add3A_177, %dma_start3A_183] : memref<819200x128xf32, #tpu.memory_space<hbm>> -> memref<128x128xf32, #tpu.memory_space<hbm>>
      %dma_start3A_185 = arith.constant 0 : i32
      %dma_start3A_186 = tpu.memref_slice %arg4[%add3A_177, %dma_start3A_185] : memref<819200x128xf32, #tpu.memory_space<hbm>> -> memref<128x128xf32, #tpu.memory_space<hbm>>
      %dma_start3A_187 = arith.constant 0 : i32
      %dma_start3A_188 = arith.constant 0 : i32
      %dma_start3A_189 = tpu.memref_slice %arg6[%dma_start3A_178, %dma_start3A_187, %dma_start3A_188] : memref<2x128x128xf32, #tpu.memory_space<vmem>> -> memref<1x128x128xf32, #tpu.memory_space<vmem>>
      %dma_start3A_190 = tpu.memref_squeeze %dma_start3A_189 : memref<1x128x128xf32, #tpu.memory_space<vmem>> -> memref<128x128xf32, #tpu.memory_space<vmem>>
      tpu.enqueue_dma source(%dma_start3A_190 : memref<128x128xf32, #tpu.memory_space<vmem>>) target(%dma_start3A_186 : memref<128x128xf32, #tpu.memory_space<hbm>>) target_semaphore(%arg10 : memref<!tpu.dma_semaphore, #tpu.memory_space<semaphore_mem>>)
      %mul3A_191 = arith.constant 2 : i32
      %mul3A_192 = arith.muli %scan3A_135, %mul3A_191 : i32
      %add3A_193 = arith.constant 1 : i32
      %add3A_194 = arith.addi %mul3A_192, %add3A_193 : i32
      %dma_wait3A_195 = arith.constant 1 : i32
      %dma_wait3A_196 = arith.constant 0 : i32
      %dma_wait3A_197 = arith.constant 0 : i32
      %dma_wait3A_198 = tpu.memref_slice %arg6[%dma_wait3A_195, %dma_wait3A_196, %dma_wait3A_197] : memref<2x128x128xf32, #tpu.memory_space<vmem>> -> memref<1x128x128xf32, #tpu.memory_space<vmem>>
      %dma_wait3A_199 = tpu.memref_squeeze %dma_wait3A_198 : memref<1x128x128xf32, #tpu.memory_space<vmem>> -> memref<128x128xf32, #tpu.memory_space<vmem>>
      %dma_wait3A_200 = arith.constant 0 : i32
      %dma_wait3A_201 = tpu.memref_slice %arg4[%mul3A_2, %dma_wait3A_200] : memref<819200x128xf32, #tpu.memory_space<hbm>> -> memref<128x128xf32, #tpu.memory_space<hbm>>
      %dma_wait3A_202 = arith.constant 0 : i32
      %dma_wait3A_203 = tpu.memref_slice %arg4[%mul3A_2, %dma_wait3A_202] : memref<819200x128xf32, #tpu.memory_space<hbm>> -> memref<128x128xf32, #tpu.memory_space<hbm>>
      %dma_wait3A_204 = arith.constant 0 : i32
      %dma_wait3A_205 = arith.constant 0 : i32
      %dma_wait3A_206 = tpu.memref_slice %arg6[%dma_wait3A_195, %dma_wait3A_204, %dma_wait3A_205] : memref<2x128x128xf32, #tpu.memory_space<vmem>> -> memref<1x128x128xf32, #tpu.memory_space<vmem>>
      %dma_wait3A_207 = tpu.memref_squeeze %dma_wait3A_206 : memref<1x128x128xf32, #tpu.memory_space<vmem>> -> memref<128x128xf32, #tpu.memory_space<vmem>>
      tpu.wait_dma2 semaphore(%arg11 : memref<!tpu.dma_semaphore, #tpu.memory_space<semaphore_mem>>) src(%dma_wait3A_207 : memref<128x128xf32, #tpu.memory_space<vmem>>) dst(%dma_wait3A_203 : memref<128x128xf32, #tpu.memory_space<hbm>>)
      %dma_start3A_208 = arith.constant 1 : i32
      %dma_start3A_209 = arith.constant 0 : i32
      %dma_start3A_210 = arith.constant 0 : i32
      %dma_start3A_211 = tpu.memref_slice %arg6[%dma_start3A_208, %dma_start3A_209, %dma_start3A_210] : memref<2x128x128xf32, #tpu.memory_space<vmem>> -> memref<1x128x128xf32, #tpu.memory_space<vmem>>
      %dma_start3A_212 = tpu.memref_squeeze %dma_start3A_211 : memref<1x128x128xf32, #tpu.memory_space<vmem>> -> memref<128x128xf32, #tpu.memory_space<vmem>>
      %dma_start3A_213 = arith.constant 0 : i32
      %dma_start3A_214 = tpu.memref_slice %arg5[%add3A_194, %dma_start3A_213] : memref<200x128xi32, #tpu.memory_space<vmem>> -> memref<1x128xi32, #tpu.memory_space<vmem>>
      %dma_start3A_215 = tpu.memref_squeeze %dma_start3A_214 : memref<1x128xi32, #tpu.memory_space<vmem>> -> memref<128xi32, #tpu.memory_space<vmem>>
      %dma_start3A_216 = arith.constant 0 : i32
      %dma_start3A_217 = arith.constant 0 : i32
      %dma_start3A_218 = tpu.memref_slice %arg7[%dma_start3A_216, %dma_start3A_217] : memref<8192x128xf32, #tpu.memory_space<vmem_shared>> -> memref<8192x128xf32, #tpu.memory_space<vmem_shared>>
      tpu.enqueue_indirect_dma source(%dma_start3A_218 : memref<8192x128xf32, #tpu.memory_space<vmem_shared>>) target(%dma_start3A_212 : memref<128x128xf32, #tpu.memory_space<vmem>>) offsets(%dma_start3A_215 : memref<128xi32, #tpu.memory_space<vmem>>) semaphore(%arg9 : memref<!tpu.dma_semaphore, #tpu.memory_space<semaphore_mem>>)
      %dma_wait3A_219 = arith.constant 1 : i32
      %dma_wait3A_220 = arith.constant 0 : i32
      %dma_wait3A_221 = arith.constant 0 : i32
      %dma_wait3A_222 = tpu.memref_slice %arg6[%dma_wait3A_219, %dma_wait3A_220, %dma_wait3A_221] : memref<2x128x128xf32, #tpu.memory_space<vmem>> -> memref<1x128x128xf32, #tpu.memory_space<vmem>>
      %dma_wait3A_223 = tpu.memref_squeeze %dma_wait3A_222 : memref<1x128x128xf32, #tpu.memory_space<vmem>> -> memref<128x128xf32, #tpu.memory_space<vmem>>
      %dma_wait3A_224 = arith.constant 0 : i32
      %dma_wait3A_225 = tpu.memref_slice %arg5[%add3A_194, %dma_wait3A_224] : memref<200x128xi32, #tpu.memory_space<vmem>> -> memref<1x128xi32, #tpu.memory_space<vmem>>
      %dma_wait3A_226 = tpu.memref_squeeze %dma_wait3A_225 : memref<1x128xi32, #tpu.memory_space<vmem>> -> memref<128xi32, #tpu.memory_space<vmem>>
      %dma_wait3A_227 = arith.constant 0 : i32
      %dma_wait3A_228 = arith.constant 0 : i32
      %dma_wait3A_229 = tpu.memref_slice %arg7[%dma_wait3A_227, %dma_wait3A_228] : memref<8192x128xf32, #tpu.memory_space<vmem_shared>> -> memref<8192x128xf32, #tpu.memory_space<vmem_shared>>
      tpu.wait_indirect_dma semaphore(%arg9 : memref<!tpu.dma_semaphore, #tpu.memory_space<semaphore_mem>>) src(%dma_wait3A_229 : memref<8192x128xf32, #tpu.memory_space<vmem_shared>>) dst(%dma_wait3A_223 : memref<128x128xf32, #tpu.memory_space<vmem>>)
      %mul3A_230 = arith.constant 128 : i32
      %mul3A_231 = arith.muli %add3A_194, %mul3A_230 : i32
      %add3A_232 = arith.addi %mul3A_2, %mul3A_231 : i32
      %dma_start3A_233 = arith.constant 1 : i32
      %dma_start3A_234 = arith.constant 0 : i32
      %dma_start3A_235 = arith.constant 0 : i32
      %dma_start3A_236 = tpu.memref_slice %arg6[%dma_start3A_233, %dma_start3A_234, %dma_start3A_235] : memref<2x128x128xf32, #tpu.memory_space<vmem>> -> memref<1x128x128xf32, #tpu.memory_space<vmem>>
      %dma_start3A_237 = tpu.memref_squeeze %dma_start3A_236 : memref<1x128x128xf32, #tpu.memory_space<vmem>> -> memref<128x128xf32, #tpu.memory_space<vmem>>
      %dma_start3A_238 = arith.constant 0 : i32
      %dma_start3A_239 = tpu.memref_slice %arg4[%add3A_232, %dma_start3A_238] : memref<819200x128xf32, #tpu.memory_space<hbm>> -> memref<128x128xf32, #tpu.memory_space<hbm>>
      %dma_start3A_240 = arith.constant 0 : i32
      %dma_start3A_241 = tpu.memref_slice %arg4[%add3A_232, %dma_start3A_240] : memref<819200x128xf32, #tpu.memory_space<hbm>> -> memref<128x128xf32, #tpu.memory_space<hbm>>
      %dma_start3A_242 = arith.constant 0 : i32
      %dma_start3A_243 = arith.constant 0 : i32
      %dma_start3A_244 = tpu.memref_slice %arg6[%dma_start3A_233, %dma_start3A_242, %dma_start3A_243] : memref<2x128x128xf32, #tpu.memory_space<vmem>> -> memref<1x128x128xf32, #tpu.memory_space<vmem>>
      %dma_start3A_245 = tpu.memref_squeeze %dma_start3A_244 : memref<1x128x128xf32, #tpu.memory_space<vmem>> -> memref<128x128xf32, #tpu.memory_space<vmem>>
      tpu.enqueue_dma source(%dma_start3A_245 : memref<128x128xf32, #tpu.memory_space<vmem>>) target(%dma_start3A_241 : memref<128x128xf32, #tpu.memory_space<hbm>>) target_semaphore(%arg11 : memref<!tpu.dma_semaphore, #tpu.memory_space<semaphore_mem>>)
    }
    %scan3A_108 = arith.constant 99 : i32
    %dma_wait3A_109 = arith.constant 0 : i32
    %dma_wait3A_110 = arith.constant 0 : i32
    %dma_wait3A_111 = arith.constant 0 : i32
    %dma_wait3A_112 = tpu.memref_slice %arg6[%dma_wait3A_109, %dma_wait3A_110, %dma_wait3A_111] : memref<2x128x128xf32, #tpu.memory_space<vmem>> -> memref<1x128x128xf32, #tpu.memory_space<vmem>>
    %dma_wait3A_113 = tpu.memref_squeeze %dma_wait3A_112 : memref<1x128x128xf32, #tpu.memory_space<vmem>> -> memref<128x128xf32, #tpu.memory_space<vmem>>
    %dma_wait3A_114 = arith.constant 0 : i32
    %dma_wait3A_115 = tpu.memref_slice %arg4[%mul3A_2, %dma_wait3A_114] : memref<819200x128xf32, #tpu.memory_space<hbm>> -> memref<128x128xf32, #tpu.memory_space<hbm>>
    %dma_wait3A_116 = arith.constant 0 : i32
    %dma_wait3A_117 = tpu.memref_slice %arg4[%mul3A_2, %dma_wait3A_116] : memref<819200x128xf32, #tpu.memory_space<hbm>> -> memref<128x128xf32, #tpu.memory_space<hbm>>
    %dma_wait3A_118 = arith.constant 0 : i32
    %dma_wait3A_119 = arith.constant 0 : i32
    %dma_wait3A_120 = tpu.memref_slice %arg6[%dma_wait3A_109, %dma_wait3A_118, %dma_wait3A_119] : memref<2x128x128xf32, #tpu.memory_space<vmem>> -> memref<1x128x128xf32, #tpu.memory_space<vmem>>
    %dma_wait3A_121 = tpu.memref_squeeze %dma_wait3A_120 : memref<1x128x128xf32, #tpu.memory_space<vmem>> -> memref<128x128xf32, #tpu.memory_space<vmem>>
    tpu.wait_dma2 semaphore(%arg10 : memref<!tpu.dma_semaphore, #tpu.memory_space<semaphore_mem>>) src(%dma_wait3A_121 : memref<128x128xf32, #tpu.memory_space<vmem>>) dst(%dma_wait3A_117 : memref<128x128xf32, #tpu.memory_space<hbm>>)
    %dma_wait3A_122 = arith.constant 1 : i32
    %dma_wait3A_123 = arith.constant 0 : i32
    %dma_wait3A_124 = arith.constant 0 : i32
    %dma_wait3A_125 = tpu.memref_slice %arg6[%dma_wait3A_122, %dma_wait3A_123, %dma_wait3A_124] : memref<2x128x128xf32, #tpu.memory_space<vmem>> -> memref<1x128x128xf32, #tpu.memory_space<vmem>>
    %dma_wait3A_126 = tpu.memref_squeeze %dma_wait3A_125 : memref<1x128x128xf32, #tpu.memory_space<vmem>> -> memref<128x128xf32, #tpu.memory_space<vmem>>
    %dma_wait3A_127 = arith.constant 0 : i32
    %dma_wait3A_128 = tpu.memref_slice %arg4[%mul3A_2, %dma_wait3A_127] : memref<819200x128xf32, #tpu.memory_space<hbm>> -> memref<128x128xf32, #tpu.memory_space<hbm>>
    %dma_wait3A_129 = arith.constant 0 : i32
    %dma_wait3A_130 = tpu.memref_slice %arg4[%mul3A_2, %dma_wait3A_129] : memref<819200x128xf32, #tpu.memory_space<hbm>> -> memref<128x128xf32, #tpu.memory_space<hbm>>
    %dma_wait3A_131 = arith.constant 0 : i32
    %dma_wait3A_132 = arith.constant 0 : i32
    %dma_wait3A_133 = tpu.memref_slice %arg6[%dma_wait3A_122, %dma_wait3A_131, %dma_wait3A_132] : memref<2x128x128xf32, #tpu.memory_space<vmem>> -> memref<1x128x128xf32, #tpu.memory_space<vmem>>
    %dma_wait3A_134 = tpu.memref_squeeze %dma_wait3A_133 : memref<1x128x128xf32, #tpu.memory_space<vmem>> -> memref<128x128xf32, #tpu.memory_space<vmem>>
    tpu.wait_dma2 semaphore(%arg11 : memref<!tpu.dma_semaphore, #tpu.memory_space<semaphore_mem>>) src(%dma_wait3A_134 : memref<128x128xf32, #tpu.memory_space<vmem>>) dst(%dma_wait3A_130 : memref<128x128xf32, #tpu.memory_space<hbm>>)
    return
  }
}

</mosaic_0001>

<sc_bundles>
// kernel: kernel.3.cloned.1.call-start
scs
__scs_entry_jumppad:
0x0: {  	(pc) =	sbr.rel $0x88, $3  }
0x1: {  	(tag) =	ssettag $0x0;
	lr =	simm.s32 $0x1  }
0x2: {  	[smem:$0x3F9F] =	sst lr;
	_ =	strace $0xD0000000  }
0x3: {  	_ = 	snop  }
0x4: {  	_ = 	snop  }
0x5: {  	_ = 	snop  }
0x6: {  	_ = 	snop  }
0x7: {  	_ = 	snop  }
__scs_overlays_trampoline_lowered:
0x8: {  	[smem:$0x3FAE] =	sst s0  }
0x9: {  	[smem:$0x3FAF] =	sst s1  }
0xa: {  	[smem:$0x3FB0] =	sst s2  }
0xb: {  	[smem:$0x3FB1] =	sst s3  }
0xc: {  	[smem:$0x3FB2] =	sst s4  }
0xd: {  	[smem:$0x3FB3] =	sst s5  }
0xe: {  	[smem:$0x3FB4] =	sst s6  }
0xf: {  	[smem:$0x3FB5] =	sst s7  }
0x10: {  	[smem:$0x3FB6] =	sst s8  }
0x11: {  	[smem:$0x3FB7] =	sst s9;
	s0 =	simm.s32 @!p0 $0x0  }
0x12: {  	s1 =	sld [smem:$0x3F9D];
	s0 =	simm.s32 @p0 $0x1  }
0x13: {  	[smem:$0x3FB8] =	sst s0;
	s0 =	simm.s32 @!p1 $0x0  }
0x14: {  	s2 =	sld [smem:$0x3F9C];
	s0 =	simm.s32 @p1 $0x1  }
0x15: {  	[smem:$0x3FB9] =	sst s0;
	s0 =	simm.s32 @!p2 $0x0  }
0x16: {  	s3 =	sld [smem:$0x3FDB];
	s0 =	simm.s32 @p2 $0x1  }
0x17: {  	s4 =	simm.s32 $0x1BF5;
	[smem:$0x3FBB] =	sst s0  }
0x18: {  	s0 =	sld [smem:$0x3F9E];
	_ =	swait.ge [sflag:s4], $0x0  }
0x19: {  	s7 =	sld [smem:$0x3F9F]  }
0x1a: {  	s8 =	sadd.s32 $0xFFFFE003, lr  }
0x1b: {  	s9 =	sadd.s32 $0xFFFFFEF7, lr;
	s5 =	simm.s32 $0xFFFFFFFF;
	p2 =	slt.u32 s8, $0xFFFFF086  }
0x1c: {  	p1 =	slt.u32 s9, $0xF7A;
	s5 =	simm.s32 @!p2 $0x0  }
0x1d: {  	s5 =	simm.s32 @p1 $0x1;
	p0 =	seq.s32 s7, s2  }
0x1e: {  	s7 =	smul.u32 @!p0 $0xF7A, s2;
	p2 =	seq.s32 @!p0 s5, $0x0  }
0x1f: {  	s9 =	smul.u32 $0xF7A, s1;
	s8 =	simm.s32 @!p0 $0x1BF5;
	p2 =	por !p2, p0  }
0x20: {  	[sflag:s8] =	ssyncset.s32 @!p0 $0xFFFFF086;
	s6 =	sadd.s32 @!p0 s3, s7;
	s7 =	simm.s32 @!p0 $0x108  }
0x21: {  	s3 =	sadd.s32 s3, s9;
	s6 =	sadd.s32 @!p0 $0x88, s6;
	s7 =	simm.s32 @p2 $0x1082  }
0x22: {  	[simem:s7], [sflag:s8] =	dma.local @!p0 [hbm:s6], $0xF7A  }
0x23: {  	s9 =	sor.u32 $0xD0000000, s2;
	s6 =	simm.s32 $0x108;
	_ =	swait.ge @!p0 [sflag:s8], $0x0  }
0x24: {  	s3 =	sadd.s32 $0x88, s3;
	s6 =	simm.s32 @!p1 $0x1082;
	[sflag:s4] =	ssyncset.s32 $0xFFFFF086  }
0x25: {  	[simem:s6], [sflag:s4] =	dma.local [hbm:s3], $0xF7A  }
0x26: {  	[smem:$0x3F9F] =	sst s1;
	(tag) =	ssettag s2;
	_ =	strace s9  }
0x27: {  	s1 =	sld [smem:$0x3FAF]  }
0x28: {  	s2 =	sld [smem:$0x3FB0]  }
0x29: {  	s4 =	sld [smem:$0x3FB2]  }
0x2a: {  	p0 =	seq.s32 s5, $0x0;
	s5 =	sld [smem:$0x3FB3]  }
0x2b: {  	s6 =	sld [smem:$0x3FB4]  }
0x2c: {  	s7 =	sld [smem:$0x3FB5]  }
0x2d: {  	s3 =	simm.s32 $0x108;
	s8 =	sld [smem:$0x3FB6]  }
0x2e: {  	s3 =	simm.s32 @!p0 $0x1082;
	s9 =	sld [smem:$0x3FB7]  }
0x2f: {  	lr =	sadd.s32 s0, s3;
	s0 =	sld [smem:$0x3FAE]  }
0x30: {  	s3 =	sld [smem:$0x3FB1]  }
0x31: {  	[smem:$0x3FBA] =	sst s10  }
0x32: {  	s10 =	sld [smem:$0x3FB8];
	_ =	sdelay $0x3  }
0x33: {  	p0 =	seq.s32 s10, $0x1;
	s10 =	sld [smem:$0x3FBA];
	_ =	sdelay $0x3  }
0x34: {  	[smem:$0x3FBA] =	sst s10  }
0x35: {  	s10 =	sld [smem:$0x3FB9];
	_ =	sdelay $0x3  }
0x36: {  	p1 =	seq.s32 s10, $0x1;
	s10 =	sld [smem:$0x3FBA];
	_ =	sdelay $0x3  }
0x37: {  	[smem:$0x3FBA] =	sst s10  }
0x38: {  	s10 =	sld [smem:$0x3FBB]  }
0x39: {  	_ = 	snop;
	(pc) =	sbr.ind lr, $3  }
0x3a: {  	_ = 	snop  }
0x3b: {  	_ = 	snop  }
0x3c: {  	p2 =	seq.s32 s10, $0x1;
	s10 =	sld [smem:$0x3FBA]  }
0x3d: {  	_ =	shalt  }
0x3e: {  	_ =	shalt  }
0x3f: {  	_ =	shalt  }
0x40: {  	_ =	shalt  }
0x41: {  	_ =	shalt  }
0x42: {  	_ =	shalt  }
0x43: {  	_ =	shalt  }
0x44: {  	_ =	shalt  }
0x45: {  	_ =	shalt  }
0x46: {  	_ =	shalt  }
0x47: {  	_ =	shalt  }
0x48: {  	_ =	shalt  }
0x49: {  	_ =	shalt  }
0x4a: {  	_ =	shalt  }
0x4b: {  	_ =	shalt  }
0x4c: {  	_ =	shalt  }
0x4d: {  	_ =	shalt  }
0x4e: {  	_ =	shalt  }
0x4f: {  	_ =	shalt  }
0x50: {  	_ =	shalt  }
0x51: {  	_ =	shalt  }
0x52: {  	_ =	shalt  }
0x53: {  	_ =	shalt  }
0x54: {  	_ =	shalt  }
0x55: {  	_ =	shalt  }
0x56: {  	_ =	shalt  }
0x57: {  	_ =	shalt  }
0x58: {  	_ =	shalt  }
0x59: {  	_ =	shalt  }
0x5a: {  	_ =	shalt  }
0x5b: {  	_ =	shalt  }
0x5c: {  	_ =	shalt  }
0x5d: {  	_ =	shalt  }
0x5e: {  	_ =	shalt  }
0x5f: {  	_ =	shalt  }
0x60: {  	_ =	shalt  }
0x61: {  	_ =	shalt  }
0x62: {  	_ =	shalt  }
0x63: {  	_ =	shalt  }
0x64: {  	_ =	shalt  }
0x65: {  	_ =	shalt  }
0x66: {  	_ =	shalt  }
0x67: {  	_ =	shalt  }
0x68: {  	_ =	shalt  }
0x69: {  	_ =	shalt  }
0x6a: {  	_ =	shalt  }
0x6b: {  	_ =	shalt  }
0x6c: {  	_ =	shalt  }
0x6d: {  	_ =	shalt  }
0x6e: {  	_ =	shalt  }
0x6f: {  	_ =	shalt  }
0x70: {  	_ =	shalt  }
0x71: {  	_ =	shalt  }
0x72: {  	_ =	shalt  }
0x73: {  	_ =	shalt  }
0x74: {  	_ =	shalt  }
0x75: {  	_ =	shalt  }
0x76: {  	_ =	shalt  }
0x77: {  	_ =	shalt  }
0x78: {  	_ =	shalt  }
0x79: {  	_ =	shalt  }
0x7a: {  	_ =	shalt  }
0x7b: {  	_ =	shalt  }
0x7c: {  	_ =	shalt  }
0x7d: {  	_ =	shalt  }
0x7e: {  	_ =	shalt  }
0x7f: {  	_ =	shalt  }
0x80: {  	_ =	shalt  }
0x81: {  	_ =	shalt  }
0x82: {  	_ =	shalt  }
0x83: {  	_ =	shalt  }
0x84: {  	_ =	shalt  }
0x85: {  	_ =	shalt  }
0x86: {  	_ =	shalt  }
0x87: {  	_ =	shalt  }
.Lfunc_end0:
.L_simem_size_0:
called_computation_lowered:
.L_overlay_start_0:
0x88: {  	s2 =	sld [smem:$0x3FD9]  }
0x89: {  	s3 =	sld [smem:$0x3FFE];
	_ =	sdelay $0x1  }
0x8a: {  	s1 =	srdreg.scid  }
0x8b: {  	s0 =	sand.u32 $0x1, s1  }
0x8c: {  	s17 =	sshll.u32 s0, $0xA;
	s2 =	sadd.s32 s3, s2  }
0x8d: {  	s2 =	sadd.s32 s2, s17  }
0x8e: {  	[smem:$0x3FC6] =	sst s2  }
0x8f: {  	_ = 	snop  }
0x90: {  	s2 =	sld [smem:$0x3FC8]  }
0x91: {  	s18 =	sld [smem:$0x3FD0];
	(tm) =	ssettm $0x1  }
0x92: {  	s4 =	sld [smem:$0x3FFB];
	_ =	sdelay $0x3  }
0x93: {  	_ =	strace s4  }
0x94: {  	s4 =	sld [smem:$0x3FFC];
	_ =	sdelay $0x3  }
0x95: {  	_ =	strace s4  }
0x96: {  	s4 =	sld [smem:$0x3FFD];
	_ =	sdelay $0x3  }
0x97: {  	_ =	strace s4  }
0x98: {  	_ =	strace $0x8FFFFFFF  }
0x99: {  	s19 =	sld [smem:$0x3FDB];
	_ =	sdelay $0x1  }
0x9a: {  	s5 =	simm.s32 $_scs_section_size  }
0x9b: {  	s6 =	simm.s32 $_size__tile_overlayer_lowered;
	s7 =	simm.s32 $_tile_overlayer_lowered  }
0x9c: {  	s22 =	simm.s32 $0x1BFF;
	s21 =	sshll.u32 s7, $0x1;
	s4 =	sadd.s32 s5, s19  }
0x9d: {  	s8 =	simm.s32 $0x0;
	s20 =	sshll.u32 s6, $0x1;
	s6 =	sadd.s32 s21, s4  }
0x9e: {  	[timem:s8], [sflag:s22] =	dma.local [hbm:s6], s20  }
0x9f: {  	_ =	swait.ge [sflag:s22], s20  }
0xa0: {  	s5 =	ssub.s32 $0x0, s20;
	[sflag:s22] =	ssyncset.done $0x0  }
0xa1: {  	[sflag:s22] =	ssyncadd.s32 s5;
	_ =	sdelay $0x1  }
0xa2: {  	s23 =	simm.s32 $0x1B8B  }
0xa3: {  	_ =	swait.ge [sflag:s23], $0x1  }
0xa4: {  	[sflag:s23] =	ssyncset.done $0x0  }
0xa5: {  	s25 =	simm.s32 $0x1B8E;
	s24 =	sld [smem:$0x3FFE];
	[sflag:s23] =	ssyncadd.s32 $0xFFFFFFFF  }
0xa6: {  	s26 =	simm.s32 $execute0_lowered;
	[smem:$0x3FD2] =	sst s25  }
0xa7: {  	s6 =	sshll.u32 s26, $0x1;
	_ =	strace $0x80000046;
	[dreg:$0x1] =	wrdreg $0xFFFFFFFF  }
0xa8: {  	s28 =	simm.s32 $_size_execute0_lowered;
	s4 =	sadd.s32 s4, s6;
	[dreg:$0x0] =	wrdreg $0x0  }
0xa9: {  	s6 =	sshll.u32 s28, $0x1;
	[dreg:$0x2] =	wrdreg s4  }
0xaa: {  	[dreg:$0x3] =	wrdreg s6  }
0xab: {  	[dreg:$0x4] =	wrdreg $0xC0  }
0xac: {  	_ =	task [dreg:s8], $0x5FFFF  }
0xad: {  	[dreg:$0x1] =	wrdreg $0xFFFFFFFF  }
0xae: {  	[dreg:$0x0] =	wrdreg $0x60  }
0xaf: {  	[dreg:$0x2] =	wrdreg s24  }
0xb0: {  	[dreg:$0x3] =	wrdreg s2  }
0xb1: {  	[dreg:$0x4] =	wrdreg s18  }
0xb2: {  	[dreg:$0x5] =	wrdreg $0xE4000  }
0xb3: {  	[dreg:$0x6] =	wrdreg $0x9  }
0xb4: {  	_ =	task.clear_ibuf [dreg:s8], $0x7FFFF;
	_ =	strace $0x90000046  }
0xb5: {  	s29 =	simm.s32 $0x9;
	_ =	strace $0x80000048  }
0xb6: {  	_ =	swait.ge [sflag:s29], $0x1  }
0xb7: {  	[sflag:s29] =	ssyncadd.s32 $0xFFFFFFFF  }
0xb8: {  	_ =	strace $0x90000048  }
0xb9: {  	_ =	sfence  }
0xba: {  	s30 =	sld [smem:$0x0];
	_ =	sdelay $0x2  }
0xbb: {  	s31 =	sshll.u32 s1, $0xD;
	s1 =	sshrl.u32 s1, $0x2  }
0xbc: {  	s3 =	sand.u32 $0x4000, s31;
	s1 =	sadd.s32 s1, s30  }
0xbd: {  	s0 =	sor.u32 s3, s0;
	s1 =	sshll.u32 s1, $0x11  }
0xbe: {  	s0 =	sor.u32 s1, s0  }
0xbf: {  	s0 =	sadd.s32 $0x8F2B, s0  }
0xc0: {  	[sflag:s0] =	ssyncadd.remote.s32 $0x1  }
0xc1: {  	_ =	sfence.sel $0xFFFF  }
0xc2: {  	[dreg:$0x0] =	wrdreg $0xFFFFFFFF;
	(pc) =	sbr.abs _section_cstart, $3  }
0xc3: {  	[dreg:$0x1] =	wrdreg $0xFFFFFFFF  }
0xc4: {  	_ =	task.clear_ibuf [dreg:s8], $0x2FFFF;
	_ =	strace $0x9FFFFFFF  }
0xc5: {  	(tm) =	ssettm $0x7FFFFFFF  }
tec
execute0_lowered:
.L_overlay_start_1:
0x0: {  	(tag) =	ssettag $0x1  }
0x1: {  	s4 =	rddreg [dreg:$0x0]  }
0x2: {  	s10 =	rddreg [dreg:$0x1]  }
0x3: {  	s16 =	rddreg [dreg:$0x2];
	s1 =	srdreg.scid  }
0x4: {  	s0 =	stileid.u32;
	s2 =	rddreg [dreg:$0x3]  }
0x5: {  	s20 =	simm.s32 $0x80;
	s21 =	simm.s32 $0x1;
	s13 =	sand.u32 $0x1, s1  }
0x6: {  	s3 =	sshll.u32 s0, $0x1;
	s1 =	rddreg [dreg:$0x4];
	s11 =	sshll.u32 s0, $0x9  }
0x7: {  	s22 =	sshll.u32 s0, $0xD;
	s23 =	sshll.u32 s0, $0x10;
	s28 =	smul.u32 $0x640000, s0  }
0x8: {  	s29 =	smul.u32 $0xC8000, s0;
	s9 =	sor.u32 s13, s3;
	s3 =	simm.s32 $0x0  }
0x9: {  	s6 =	ssub.s32 $0x2, s13;
	s24 =	sor.u32 $0x80, s11;
	s19 =	smul.u32 $0x320000, s13  }
0xa: {  	s14 =	sor.u32 $0x100, s11;
	s11 =	sor.u32 $0x180, s11;
	s30 =	smul.u32 $0x64000, s13  }
0xb: {  	s5 =	smul.u32 $0xC80, s9;
	[smem:$0x7FF] =	sst s3;
	s7 =	sshrl.u32 s6, $0x1  }
0xc: {  	s25 =	sshll.u32 s24, $0x4;
	s8 =	sshll.u32 s24, $0x7;
	s26 =	sshll.u32 s14, $0x4  }
0xd: {  	s14 =	sshll.u32 s14, $0x7;
	s17 =	smul.u32 $0x64000, s9;
	s18 =	sshll.u32 s11, $0x4  }
0xe: {  	s11 =	sshll.u32 s11, $0x7;
	s24 =	simm.s32 $0x3;
	_ =	strace $0x80000047  }
0xf: {  	s15 =	ssub.s32 s6, s7;
	s6 =	sadd.s32 s10, s25;
	s7 =	sadd.s32 s8, s2  }
0x10: {  	s8 =	sadd.s32 s10, s26;
	s9 =	sadd.s32 s14, s2;
	s11 =	sadd.s32 s11, s2  }
0x11: {  	s14 =	sadd.s32 s19, s28;
	s19 =	simm.s32 $0x5;
	s25 =	simm.s32 $0x4  }
0x12: {  	s26 =	simm.s32 $0x0;
	s12 =	sadd.s32 s5, s4;
	s4 =	sadd.s32 s10, s22  }
0x13: {  	s5 =	sadd.s32 s23, s2;
	s10 =	sadd.s32 s10, s18;
	s13 =	sadd.s32 s16, s17  }
0x14: {  	s31 =	sor.u32 $0x8000, s14;
	s18 =	sadd.s32 s29, s16;
	s15 =	smax.u32 s15, $0x1  }
0x15: {  	s22 =	simm.s32 $0xA400;
	s23 =	simm.s32 $0x2;
	s12 =	sadd.s32 $0x400, s12  }
0x16: {  	s14 =	sadd.s32 $0x800, s13;
	s17 =	sshrl.u32 s31, $0x3;
	s18 =	sadd.s32 s30, s18  }
0x17: {  	s16 =	sadd.s32 s17, s16;
	s17 =	sadd.s32 $0x1800, s18;
	s18 =	simm.s32 $0x6400  }
.LBB2_1:
0x18: {  	[tilespmem:s18], [sflag:$0x5] =	stream.linear.gather [hbm4b:s4+s3], $0x4000, $0x38;
	[tilespmem:$0x1E400] =	vst v63  }
0x19: {  	_ =	swait.ge [sflag:s19], $0x4000  }
0x1a: {  	[sflag:s19] =	ssyncset.done $0x0  }
0x1b: {  	[sflag:s19] =	ssyncadd.s32 $0xFFFFC000  }
0x1c: {  	[spmem:s5] =	stream.linear.scatter [tilespmem:s18], [sflag:$0x5], $0x4000, $0x38;
	[tilespmem:$0x1E400] =	vst v63  }
0x1d: {  	_ =	swait.ge [sflag:s19], $0x4000  }
0x1e: {  	[sflag:s19] =	ssyncset.done $0x0  }
0x1f: {  	[sflag:s19] =	ssyncadd.s32 $0xFFFFC000  }
0x20: {  	[tilespmem:s18], [sflag:$0x5] =	stream.linear.gather [hbm4b:s6+s3], $0x4000, $0x38;
	[tilespmem:$0x1E400] =	vst v63  }
0x21: {  	_ =	swait.ge [sflag:s19], $0x4000  }
0x22: {  	[sflag:s19] =	ssyncset.done $0x0  }
0x23: {  	[sflag:s19] =	ssyncadd.s32 $0xFFFFC000  }
0x24: {  	[spmem:s7] =	stream.linear.scatter [tilespmem:s18], [sflag:$0x5], $0x4000, $0x38;
	[tilespmem:$0x1E400] =	vst v63  }
0x25: {  	_ =	swait.ge [sflag:s19], $0x4000  }
0x26: {  	[sflag:s19] =	ssyncset.done $0x0  }
0x27: {  	[sflag:s19] =	ssyncadd.s32 $0xFFFFC000  }
0x28: {  	[tilespmem:s18], [sflag:$0x5] =	stream.linear.gather [hbm4b:s8+s3], $0x4000, $0x38;
	[tilespmem:$0x1E400] =	vst v63  }
0x29: {  	_ =	swait.ge [sflag:s19], $0x4000  }
0x2a: {  	[sflag:s19] =	ssyncset.done $0x0  }
0x2b: {  	[sflag:s19] =	ssyncadd.s32 $0xFFFFC000  }
0x2c: {  	[spmem:s9] =	stream.linear.scatter [tilespmem:s18], [sflag:$0x5], $0x4000, $0x38;
	[tilespmem:$0x1E400] =	vst v63  }
0x2d: {  	_ =	swait.ge [sflag:s19], $0x4000  }
0x2e: {  	[sflag:s19] =	ssyncset.done $0x0  }
0x2f: {  	[sflag:s19] =	ssyncadd.s32 $0xFFFFC000  }
0x30: {  	[tilespmem:s18], [sflag:$0x5] =	stream.linear.gather [hbm4b:s10+s3], $0x4000, $0x38;
	[tilespmem:$0x1E400] =	vst v63  }
0x31: {  	_ =	swait.ge [sflag:s19], $0x4000  }
0x32: {  	[sflag:s19] =	ssyncset.done $0x0  }
0x33: {  	[sflag:s19] =	ssyncadd.s32 $0xFFFFC000  }
0x34: {  	[spmem:s11] =	stream.linear.scatter [tilespmem:s18], [sflag:$0x5], $0x4000, $0x38;
	[tilespmem:$0x1E400] =	vst v63  }
0x35: {  	_ =	swait.ge [sflag:s19], $0x4000  }
0x36: {  	[sflag:s19] =	ssyncset.done $0x0  }
0x37: {  	[sflag:s19] =	ssyncadd.s32 $0xFFFFC000  }
0x38: {  	[tilespmem:s3], [sflag:$0x5] =	stream.linear.gather [hbm4b:s12+s3], $0x6400, $0x38;
	[tilespmem:$0x1E400] =	vst v63  }
0x39: {  	_ =	swait.ge [sflag:s19], $0x6400  }
0x3a: {  	[sflag:s19] =	ssyncset.done $0x0  }
0x3b: {  	[sflag:s19] =	ssyncadd.s32 $0xFFFF9C00  }
0x3c: {  	[bflag:$0x0] =	sbarrier.arrive $0xFFFF  }
0x3d: {  	[tilespmem:s18], [sflag:$0x1] =	stream.indirect.gather [spmem:s2], $0x80, s3, s20, $0xb8;
	[tilespmem:$0x1E400] =	vst v63  }
0x3e: {  	_ =	swait.ge [sflag:s21], $0x4000  }
0x3f: {  	[sflag:s21] =	ssyncset.done $0x0  }
0x40: {  	[sflag:s21] =	ssyncadd.s32 $0xFFFFC000  }
0x41: {  	[hbm4b:s13+s3] =	stream.linear.scatter [tilespmem:s18], [sflag:$0x3], $0x4000, $0x38;
	[tilespmem:$0x1E400] =	vst v63  }
0x42: {  	_ = 	snop  }
0x43: {  	[tilespmem:s22], [sflag:$0x2] =	stream.indirect.gather [spmem:s2], $0x80, s20, s20, $0xb8;
	[tilespmem:$0x1E400] =	vst v63  }
0x44: {  	_ =	swait.ge [sflag:s23], $0x4000  }
0x45: {  	[sflag:s23] =	ssyncset.done $0x0  }
0x46: {  	[sflag:s23] =	ssyncadd.s32 $0xFFFFC000  }
0x47: {  	[hbm4b:s14+s3] =	stream.linear.scatter [tilespmem:s22], [sflag:$0x4], $0x4000, $0x38;
	[tilespmem:$0x1E400] =	vst v63  }
0x48: {  	_ =	swait.ge [sflag:s24], $0x4000  }
0x49: {  	[sflag:s24] =	ssyncset.done $0x0  }
0x4a: {  	s28 =	simm.s32 $0x100;
	[sflag:s24] =	ssyncadd.s32 $0xFFFFC000  }
0x4b: {  	[tilespmem:s18], [sflag:$0x1] =	stream.indirect.gather [spmem:s2], $0x80, s28, s20, $0xb8;
	[tilespmem:$0x1E400] =	vst v63  }
0x4c: {  	_ =	swait.ge [sflag:s21], $0x4000  }
0x4d: {  	[sflag:s21] =	ssyncset.done $0x0  }
0x4e: {  	s28 =	sadd.s32 $0x0, s16;
	[sflag:s21] =	ssyncadd.s32 $0xFFFFC000  }
0x4f: {  	[hbm4b:s28+s3] =	stream.linear.scatter [tilespmem:s18], [sflag:$0x3], $0x4000, $0x38;
	[tilespmem:$0x1E400] =	vst v63  }
0x50: {  	_ =	swait.ge [sflag:s25], $0x4000  }
0x51: {  	[sflag:s25] =	ssyncset.done $0x0  }
0x52: {  	s28 =	simm.s32 $0x180;
	[sflag:s25] =	ssyncadd.s32 $0xFFFFC000  }
0x53: {  	[tilespmem:s22], [sflag:$0x2] =	stream.indirect.gather [spmem:s2], $0x80, s28, s20, $0xb8;
	[tilespmem:$0x1E400] =	vst v63  }
0x54: {  	_ =	swait.ge [sflag:s23], $0x4000  }
0x55: {  	s30 =	sadd.s32 $0x0, s17;
	[sflag:s23] =	ssyncset.done $0x0  }
0x56: {  	s29 =	simm.s32 $0x200;
	s28 =	simm.s32 $0x1000;
	[sflag:s23] =	ssyncadd.s32 $0xFFFFC000  }
.LBB2_2:
0x57: {  	[hbm4b:s30+s3] =	stream.linear.scatter [tilespmem:s22], [sflag:$0x4], $0x4000, $0x38;
	[tilespmem:$0x1E400] =	vst v63  }
0x58: {  	s30 =	smov.u32 s28  }
0x59: {  	p0 =	sne.s32 s28, $0x62000;
	s28 =	sadd.s32 $0x1000, s28;
	_ =	swait.ge [sflag:s24], $0x4000  }
0x5a: {  	[sflag:s24] =	ssyncset.done $0x0  }
0x5b: {  	[sflag:s24] =	ssyncadd.s32 $0xFFFFC000  }
0x5c: {  	[tilespmem:s18], [sflag:$0x1] =	stream.indirect.gather [spmem:s2], $0x80, s29, s20, $0xb8;
	[tilespmem:$0x1E400] =	vst v63  }
0x5d: {  	_ =	swait.ge [sflag:s21], $0x4000  }
0x5e: {  	[sflag:s21] =	ssyncset.done $0x0  }
0x5f: {  	s31 =	sadd.s32 s30, s16;
	[sflag:s21] =	ssyncadd.s32 $0xFFFFC000  }
0x60: {  	[hbm4b:s31+s3] =	stream.linear.scatter [tilespmem:s18], [sflag:$0x3], $0x4000, $0x38;
	[tilespmem:$0x1E400] =	vst v63  }
0x61: {  	_ =	swait.ge [sflag:s25], $0x4000  }
0x62: {  	[sflag:s25] =	ssyncset.done $0x0  }
.Ltmp0:
0x63: {  	s31 =	sadd.s32 $0x80, s29;
	[sflag:s25] =	ssyncadd.s32 $0xFFFFC000;
	(pc) =	sbr.rel @p0 .LBB2_2-.Ltmp0, $4  }
0x64: {  	[tilespmem:s22], [sflag:$0x2] =	stream.indirect.gather [spmem:s2], $0x80, s31, s20, $0xb8;
	[tilespmem:$0x1E400] =	vst v63  }
0x65: {  	_ =	swait.ge [sflag:s23], $0x4000  }
0x66: {  	[sflag:s23] =	ssyncset.done $0x0  }
0x67: {  	s30 =	sadd.s32 s30, s17;
	s29 =	sadd.s32 $0x100, s29;
	[sflag:s23] =	ssyncadd.s32 $0xFFFFC000  }
0x68: {  	[hbm4b:s30+s3] =	stream.linear.scatter [tilespmem:s22], [sflag:$0x4], $0x4000, $0x38;
	[tilespmem:$0x1E400] =	vst v63  }
0x69: {  	s26 =	sadd.s32 $0x1, s26  }
0x6a: {  	_ =	swait.ge [sflag:s24], $0x4000;
	p0 =	sne.s32 s26, s15  }
.Ltmp1:
0x6b: {  	[sflag:s24] =	ssyncset.done $0x0;
	(pc) =	sbr.rel @p0 .LBB2_1-.Ltmp1, $4  }
0x6c: {  	[sflag:s24] =	ssyncadd.s32 $0xFFFFC000  }
0x6d: {  	_ =	swait.ge [sflag:s25], $0x4000  }
0x6e: {  	[sflag:s25] =	ssyncset.done $0x0  }
0x6f: {  	[sflag:s25] =	ssyncadd.s32 $0xFFFFC000  }
0x70: {  	_ =	sfence.sel $0x180000  }
0x71: {  	[bflag:$0x0] =	sbarrier.arrive $0xFFFF  }
0x72: {  	p0 =	sne.s32 s0, $0x0;
	_ =	strace $0x90000047  }
0x73: {  	s0 =	sadd.s32 @!p0 $0x100000, s1;
	[bflag:$0x2] =	sbarrier.arrive $0xFFFF  }
0x74: {  	[sflag:s0] =	ssyncadd.tile.s32 @!p0 $0x1;
	_ =	shalt  }
.Lfunc_end2:
_tile_overlayer_lowered:
.L_overlay_start_2:
0x75: {  	(tag) =	ssettag $0x2  }
0x76: {  	s0 =	rddreg [dreg:$0x0];
	s2 =	stileid.u32  }
0x77: {  	s1 =	rddreg [dreg:$0x1];
	p0 =	sne.s32 s2, $0x0  }
0x78: {  	s3 =	rddreg [dreg:$0x2];
	[bflag:$0x3] =	sbarrier.arrive $0xFFFF;
	s2 =	simm.s32 @!p0 $0x1C05  }
0x79: {  	[timem:s3], [sflag:s2] =	dma.local @!p0 [hbm:s0], s1  }
0x7a: {  	s0 =	simm.s32 @!p0 $0x5  }
0x7b: {  	_ =	swait.ge @!p0 [sflag:s0], s1  }
0x7c: {  	s1 =	ssub.s32 @!p0 $0x0, s1;
	[sflag:s0] =	ssyncset.done @!p0 $0x0  }
0x7d: {  	[sflag:s0] =	ssyncadd.s32 @!p0 s1  }
0x7e: {  	[bflag:$0x3] =	sbarrier.arrive $0xFFFF  }
0x7f: {  	_ =	shalt  }

</sc_bundles>
